<compile_context>
chip_gen: v7x
topology: tpu7x:2x2x1
jax: 0.10.2.dev20260603
libtpu: 0.0.44.dev20260713+nightly
codegen_flags: <defaults>
</compile_context>

<pallas_src>
import functools

import jax
import jax.numpy as jnp
from jax import lax
from jax.experimental import pallas as pl
from jax.experimental.pallas import tpu as pltpu
from jax.experimental.pallas import tpu_sc as plsc

_NBUF = 8


def kernel(x, table):
    b, l = x.shape
    v, d = table.shape
    n = b * l
    dp = 128
    x_flat = x.reshape(n)
    info = plsc.get_sparse_core_info()
    nw = info.num_cores * info.num_subcores
    rows_per_w = b // nw
    groups = rows_per_w // _NBUF
    mesh = plsc.VectorSubcoreMesh(core_axis_name="c", subcore_axis_name="s")

    @functools.partial(
        pl.kernel,
        out_type=jax.ShapeDtypeStruct((b, l, dp), jnp.float32),
        mesh=mesh,
        scratch_types=(
            [pltpu.VMEM((l,), jnp.int32) for _ in range(_NBUF)]
            + [pltpu.VMEM((l, d), jnp.float32) for _ in range(_NBUF)]
            + [pltpu.SemaphoreType.DMA((_NBUF,)),
               pltpu.SemaphoreType.DMA((_NBUF,)),
               pltpu.SemaphoreType.DMA((_NBUF,))]
        ),
        compiler_params=pltpu.CompilerParams(use_tc_tiling_on_sc=False),
    )
    def emb(x_hbm, table_hbm, out_hbm, *refs):
        idx_v = refs[:_NBUF]
        rows_v = refs[_NBUF:2 * _NBUF]
        idx_sem, gat_sem, out_sem = refs[2 * _NBUF:]
        wid = lax.axis_index("s") * info.num_cores + lax.axis_index("c")
        base = wid * rows_per_w

        for bb in range(_NBUF):
            pltpu.async_copy(
                x_hbm.at[pl.ds((base + bb) * l, l)], idx_v[bb],
                idx_sem.at[bb])

        @pl.loop(0, groups)
        def _grp(g):
            s0 = base + g * _NBUF
            descs = []
            for bb in range(_NBUF):
                @pl.when(g > 0)
                def _():
                    pltpu.make_async_copy(
                        rows_v[bb], out_hbm.at[0, :, pl.ds(0, d)],
                        out_sem.at[bb]).wait()

                pltpu.make_async_copy(
                    x_hbm.at[pl.ds(0, l)], idx_v[bb], idx_sem.at[bb]).wait()

                descs.append(pltpu.async_copy(
                    table_hbm.at[idx_v[bb]], rows_v[bb], gat_sem.at[bb]))

            for bb in range(_NBUF):
                descs[bb].wait()
                pltpu.async_copy(rows_v[bb],
                                 out_hbm.at[s0 + bb, :, pl.ds(0, d)],
                                 out_sem.at[bb])

                @pl.when(g + 1 < groups)
                def _():
                    pltpu.async_copy(
                        x_hbm.at[pl.ds((s0 + bb + _NBUF) * l, l)],
                        idx_v[bb], idx_sem.at[bb])

        for bb in range(_NBUF):
            pltpu.make_async_copy(
                rows_v[bb], out_hbm.at[0, :, pl.ds(0, d)],
                out_sem.at[bb]).wait()

    out_full = emb(x_flat, table)
    return out_full[:, :, :d]

# --- scband reference (transcript-rebuilt; emitter-appended) ---
"""Pipeline reference for scband-embedding-43928925504061 (READ-ONLY COPY).

The authoritative reference and input builder live on the scoring server;
editing this copy changes nothing except your own understanding.
"""

import jax, jax.numpy as jnp
import numpy as np

VOCAB = 1000000
D_MODEL = 64
B = 16384
L = 200

def setup_inputs(seed: int = 0) -> dict:
    key = jax.random.key(seed)
    k_idx, k_tab = jax.random.split(key)
    x = jax.random.randint(k_idx, (B, L), 0, VOCAB, dtype=jnp.int64 if jax.config.jax_enable_x64 else jnp.int32)
    table = jax.random.normal(k_tab, (VOCAB, D_MODEL), dtype=jnp.float32)
    return {"x": x, "table": table}

def reference(x, table):
    # nn.Embedding forward: gather rows of the embedding table by index
    out = jnp.take(table, x, axis=0)
    return out

if __name__ == "__main__":
    import jax
    _d = setup_inputs()
    print(jax.jit(kernel)(*tuple(_d.values())))

</pallas_src>

<mosaic_0001>
#map = affine_map<(d0, d1) -> (0)>
#map1 = affine_map<(d0, d1) -> (0, 0)>
#map2 = affine_map<(d0, d1) -> (0, 0, 0)>
module attributes {stable_mosaic.version = 14 : i64} {
  func.func @emb(%arg0: i32, %arg1: i32, %arg2: memref<3276800xi32, #tpu.memory_space<hbm>>, %arg3: memref<1000000x64xf32, #tpu.memory_space<hbm>>, %arg4: memref<16384x200x128xf32, #tpu.memory_space<hbm>>, %arg5: memref<200xi32, #tpu.memory_space<vmem>>, %arg6: memref<200xi32, #tpu.memory_space<vmem>>, %arg7: memref<200xi32, #tpu.memory_space<vmem>>, %arg8: memref<200xi32, #tpu.memory_space<vmem>>, %arg9: memref<200xi32, #tpu.memory_space<vmem>>, %arg10: memref<200xi32, #tpu.memory_space<vmem>>, %arg11: memref<200xi32, #tpu.memory_space<vmem>>, %arg12: memref<200xi32, #tpu.memory_space<vmem>>, %arg13: memref<200x64xf32, #tpu.memory_space<vmem>>, %arg14: memref<200x64xf32, #tpu.memory_space<vmem>>, %arg15: memref<200x64xf32, #tpu.memory_space<vmem>>, %arg16: memref<200x64xf32, #tpu.memory_space<vmem>>, %arg17: memref<200x64xf32, #tpu.memory_space<vmem>>, %arg18: memref<200x64xf32, #tpu.memory_space<vmem>>, %arg19: memref<200x64xf32, #tpu.memory_space<vmem>>, %arg20: memref<200x64xf32, #tpu.memory_space<vmem>>, %arg21: memref<8x!tpu.dma_semaphore, #tpu.memory_space<semaphore_mem>>, %arg22: memref<8x!tpu.dma_semaphore, #tpu.memory_space<semaphore_mem>>, %arg23: memref<8x!tpu.dma_semaphore, #tpu.memory_space<semaphore_mem>>) attributes {dimension_semantics = [#tpu.dimension_semantics<core_parallel>, #tpu.dimension_semantics<subcore_parallel>], iteration_bounds = array<i64: 2, 16>, scalar_prefetch = 0 : i64, scratch_operands = 19 : i64, tpu.core_type = #tpu.core_type<sc_vector_subcore>, window_params = [{transform_indices = #map}, {transform_indices = #map1}, {transform_indices = #map2}]} {
    %mul3A = arith.constant 2 : i32
    %mul3A_0 = arith.muli %arg1, %mul3A : i32
    %add3A = arith.addi %mul3A_0, %arg0 : i32
    %mul3A_1 = arith.constant 512 : i32
    %mul3A_2 = arith.muli %add3A, %mul3A_1 : i32
    %add3A_3 = arith.constant 0 : i32
    %add3A_4 = arith.addi %mul3A_2, %add3A_3 : i32
    %mul3A_5 = arith.constant 200 : i32
    %mul3A_6 = arith.muli %add3A_4, %mul3A_5 : i32
    %dma_start3A = arith.constant 0 : i32
    %dma_start3A_7 = tpu.memref_slice %arg2[%mul3A_6] : memref<3276800xi32, #tpu.memory_space<hbm>> -> memref<200xi32, #tpu.memory_space<hbm>>
    %dma_start3A_8 = tpu.memref_slice %arg21[%dma_start3A] : memref<8x!tpu.dma_semaphore, #tpu.memory_space<semaphore_mem>> -> memref<1x!tpu.dma_semaphore, #tpu.memory_space<semaphore_mem>>
    %dma_start3A_9 = tpu.memref_squeeze %dma_start3A_8 : memref<1x!tpu.dma_semaphore, #tpu.memory_space<semaphore_mem>> -> memref<!tpu.dma_semaphore, #tpu.memory_space<semaphore_mem>>
    %dma_start3A_10 = tpu.memref_slice %arg2[%mul3A_6] : memref<3276800xi32, #tpu.memory_space<hbm>> -> memref<200xi32, #tpu.memory_space<hbm>>
    tpu.enqueue_dma source(%dma_start3A_10 : memref<200xi32, #tpu.memory_space<hbm>>) target(%arg5 : memref<200xi32, #tpu.memory_space<vmem>>) target_semaphore(%dma_start3A_9 : memref<!tpu.dma_semaphore, #tpu.memory_space<semaphore_mem>>)
    %add3A_11 = arith.constant 1 : i32
    %add3A_12 = arith.addi %mul3A_2, %add3A_11 : i32
    %mul3A_13 = arith.constant 200 : i32
    %mul3A_14 = arith.muli %add3A_12, %mul3A_13 : i32
    %dma_start3A_15 = arith.constant 1 : i32
    %dma_start3A_16 = tpu.memref_slice %arg2[%mul3A_14] : memref<3276800xi32, #tpu.memory_space<hbm>> -> memref<200xi32, #tpu.memory_space<hbm>>
    %dma_start3A_17 = tpu.memref_slice %arg21[%dma_start3A_15] : memref<8x!tpu.dma_semaphore, #tpu.memory_space<semaphore_mem>> -> memref<1x!tpu.dma_semaphore, #tpu.memory_space<semaphore_mem>>
    %dma_start3A_18 = tpu.memref_squeeze %dma_start3A_17 : memref<1x!tpu.dma_semaphore, #tpu.memory_space<semaphore_mem>> -> memref<!tpu.dma_semaphore, #tpu.memory_space<semaphore_mem>>
    %dma_start3A_19 = tpu.memref_slice %arg2[%mul3A_14] : memref<3276800xi32, #tpu.memory_space<hbm>> -> memref<200xi32, #tpu.memory_space<hbm>>
    tpu.enqueue_dma source(%dma_start3A_19 : memref<200xi32, #tpu.memory_space<hbm>>) target(%arg6 : memref<200xi32, #tpu.memory_space<vmem>>) target_semaphore(%dma_start3A_18 : memref<!tpu.dma_semaphore, #tpu.memory_space<semaphore_mem>>)
    %add3A_20 = arith.constant 2 : i32
    %add3A_21 = arith.addi %mul3A_2, %add3A_20 : i32
    %mul3A_22 = arith.constant 200 : i32
    %mul3A_23 = arith.muli %add3A_21, %mul3A_22 : i32
    %dma_start3A_24 = arith.constant 2 : i32
    %dma_start3A_25 = tpu.memref_slice %arg2[%mul3A_23] : memref<3276800xi32, #tpu.memory_space<hbm>> -> memref<200xi32, #tpu.memory_space<hbm>>
    %dma_start3A_26 = tpu.memref_slice %arg21[%dma_start3A_24] : memref<8x!tpu.dma_semaphore, #tpu.memory_space<semaphore_mem>> -> memref<1x!tpu.dma_semaphore, #tpu.memory_space<semaphore_mem>>
    %dma_start3A_27 = tpu.memref_squeeze %dma_start3A_26 : memref<1x!tpu.dma_semaphore, #tpu.memory_space<semaphore_mem>> -> memref<!tpu.dma_semaphore, #tpu.memory_space<semaphore_mem>>
    %dma_start3A_28 = tpu.memref_slice %arg2[%mul3A_23] : memref<3276800xi32, #tpu.memory_space<hbm>> -> memref<200xi32, #tpu.memory_space<hbm>>
    tpu.enqueue_dma source(%dma_start3A_28 : memref<200xi32, #tpu.memory_space<hbm>>) target(%arg7 : memref<200xi32, #tpu.memory_space<vmem>>) target_semaphore(%dma_start3A_27 : memref<!tpu.dma_semaphore, #tpu.memory_space<semaphore_mem>>)
    %add3A_29 = arith.constant 3 : i32
    %add3A_30 = arith.addi %mul3A_2, %add3A_29 : i32
    %mul3A_31 = arith.constant 200 : i32
    %mul3A_32 = arith.muli %add3A_30, %mul3A_31 : i32
    %dma_start3A_33 = arith.constant 3 : i32
    %dma_start3A_34 = tpu.memref_slice %arg2[%mul3A_32] : memref<3276800xi32, #tpu.memory_space<hbm>> -> memref<200xi32, #tpu.memory_space<hbm>>
    %dma_start3A_35 = tpu.memref_slice %arg21[%dma_start3A_33] : memref<8x!tpu.dma_semaphore, #tpu.memory_space<semaphore_mem>> -> memref<1x!tpu.dma_semaphore, #tpu.memory_space<semaphore_mem>>
    %dma_start3A_36 = tpu.memref_squeeze %dma_start3A_35 : memref<1x!tpu.dma_semaphore, #tpu.memory_space<semaphore_mem>> -> memref<!tpu.dma_semaphore, #tpu.memory_space<semaphore_mem>>
    %dma_start3A_37 = tpu.memref_slice %arg2[%mul3A_32] : memref<3276800xi32, #tpu.memory_space<hbm>> -> memref<200xi32, #tpu.memory_space<hbm>>
    tpu.enqueue_dma source(%dma_start3A_37 : memref<200xi32, #tpu.memory_space<hbm>>) target(%arg8 : memref<200xi32, #tpu.memory_space<vmem>>) target_semaphore(%dma_start3A_36 : memref<!tpu.dma_semaphore, #tpu.memory_space<semaphore_mem>>)
    %add3A_38 = arith.constant 4 : i32
    %add3A_39 = arith.addi %mul3A_2, %add3A_38 : i32
    %mul3A_40 = arith.constant 200 : i32
    %mul3A_41 = arith.muli %add3A_39, %mul3A_40 : i32
    %dma_start3A_42 = arith.constant 4 : i32
    %dma_start3A_43 = tpu.memref_slice %arg2[%mul3A_41] : memref<3276800xi32, #tpu.memory_space<hbm>> -> memref<200xi32, #tpu.memory_space<hbm>>
    %dma_start3A_44 = tpu.memref_slice %arg21[%dma_start3A_42] : memref<8x!tpu.dma_semaphore, #tpu.memory_space<semaphore_mem>> -> memref<1x!tpu.dma_semaphore, #tpu.memory_space<semaphore_mem>>
    %dma_start3A_45 = tpu.memref_squeeze %dma_start3A_44 : memref<1x!tpu.dma_semaphore, #tpu.memory_space<semaphore_mem>> -> memref<!tpu.dma_semaphore, #tpu.memory_space<semaphore_mem>>
    %dma_start3A_46 = tpu.memref_slice %arg2[%mul3A_41] : memref<3276800xi32, #tpu.memory_space<hbm>> -> memref<200xi32, #tpu.memory_space<hbm>>
    tpu.enqueue_dma source(%dma_start3A_46 : memref<200xi32, #tpu.memory_space<hbm>>) target(%arg9 : memref<200xi32, #tpu.memory_space<vmem>>) target_semaphore(%dma_start3A_45 : memref<!tpu.dma_semaphore, #tpu.memory_space<semaphore_mem>>)
    %add3A_47 = arith.constant 5 : i32
    %add3A_48 = arith.addi %mul3A_2, %add3A_47 : i32
    %mul3A_49 = arith.constant 200 : i32
    %mul3A_50 = arith.muli %add3A_48, %mul3A_49 : i32
    %dma_start3A_51 = arith.constant 5 : i32
    %dma_start3A_52 = tpu.memref_slice %arg2[%mul3A_50] : memref<3276800xi32, #tpu.memory_space<hbm>> -> memref<200xi32, #tpu.memory_space<hbm>>
    %dma_start3A_53 = tpu.memref_slice %arg21[%dma_start3A_51] : memref<8x!tpu.dma_semaphore, #tpu.memory_space<semaphore_mem>> -> memref<1x!tpu.dma_semaphore, #tpu.memory_space<semaphore_mem>>
    %dma_start3A_54 = tpu.memref_squeeze %dma_start3A_53 : memref<1x!tpu.dma_semaphore, #tpu.memory_space<semaphore_mem>> -> memref<!tpu.dma_semaphore, #tpu.memory_space<semaphore_mem>>
    %dma_start3A_55 = tpu.memref_slice %arg2[%mul3A_50] : memref<3276800xi32, #tpu.memory_space<hbm>> -> memref<200xi32, #tpu.memory_space<hbm>>
    tpu.enqueue_dma source(%dma_start3A_55 : memref<200xi32, #tpu.memory_space<hbm>>) target(%arg10 : memref<200xi32, #tpu.memory_space<vmem>>) target_semaphore(%dma_start3A_54 : memref<!tpu.dma_semaphore, #tpu.memory_space<semaphore_mem>>)
    %add3A_56 = arith.constant 6 : i32
    %add3A_57 = arith.addi %mul3A_2, %add3A_56 : i32
    %mul3A_58 = arith.constant 200 : i32
    %mul3A_59 = arith.muli %add3A_57, %mul3A_58 : i32
    %dma_start3A_60 = arith.constant 6 : i32
    %dma_start3A_61 = tpu.memref_slice %arg2[%mul3A_59] : memref<3276800xi32, #tpu.memory_space<hbm>> -> memref<200xi32, #tpu.memory_space<hbm>>
    %dma_start3A_62 = tpu.memref_slice %arg21[%dma_start3A_60] : memref<8x!tpu.dma_semaphore, #tpu.memory_space<semaphore_mem>> -> memref<1x!tpu.dma_semaphore, #tpu.memory_space<semaphore_mem>>
    %dma_start3A_63 = tpu.memref_squeeze %dma_start3A_62 : memref<1x!tpu.dma_semaphore, #tpu.memory_space<semaphore_mem>> -> memref<!tpu.dma_semaphore, #tpu.memory_space<semaphore_mem>>
    %dma_start3A_64 = tpu.memref_slice %arg2[%mul3A_59] : memref<3276800xi32, #tpu.memory_space<hbm>> -> memref<200xi32, #tpu.memory_space<hbm>>
    tpu.enqueue_dma source(%dma_start3A_64 : memref<200xi32, #tpu.memory_space<hbm>>) target(%arg11 : memref<200xi32, #tpu.memory_space<vmem>>) target_semaphore(%dma_start3A_63 : memref<!tpu.dma_semaphore, #tpu.memory_space<semaphore_mem>>)
    %add3A_65 = arith.constant 7 : i32
    %add3A_66 = arith.addi %mul3A_2, %add3A_65 : i32
    %mul3A_67 = arith.constant 200 : i32
    %mul3A_68 = arith.muli %add3A_66, %mul3A_67 : i32
    %dma_start3A_69 = arith.constant 7 : i32
    %dma_start3A_70 = tpu.memref_slice %arg2[%mul3A_68] : memref<3276800xi32, #tpu.memory_space<hbm>> -> memref<200xi32, #tpu.memory_space<hbm>>
    %dma_start3A_71 = tpu.memref_slice %arg21[%dma_start3A_69] : memref<8x!tpu.dma_semaphore, #tpu.memory_space<semaphore_mem>> -> memref<1x!tpu.dma_semaphore, #tpu.memory_space<semaphore_mem>>
    %dma_start3A_72 = tpu.memref_squeeze %dma_start3A_71 : memref<1x!tpu.dma_semaphore, #tpu.memory_space<semaphore_mem>> -> memref<!tpu.dma_semaphore, #tpu.memory_space<semaphore_mem>>
    %dma_start3A_73 = tpu.memref_slice %arg2[%mul3A_68] : memref<3276800xi32, #tpu.memory_space<hbm>> -> memref<200xi32, #tpu.memory_space<hbm>>
    tpu.enqueue_dma source(%dma_start3A_73 : memref<200xi32, #tpu.memory_space<hbm>>) target(%arg12 : memref<200xi32, #tpu.memory_space<vmem>>) target_semaphore(%dma_start3A_72 : memref<!tpu.dma_semaphore, #tpu.memory_space<semaphore_mem>>)
    %scan3A = arith.constant 0 : i32
    %scan3A_74 = arith.constant 64 : i32
    %scan3A_75 = arith.addi %scan3A, %scan3A_74 : i32
    %scan3A_76 = arith.constant 1 : i32
    scf.for %scan3A_173 = %scan3A to %scan3A_75 step %scan3A_76  : i32 {
      %mul3A_174 = arith.constant 1 : i32
      %mul3A_175 = arith.muli %scan3A_173, %mul3A_174 : i32
      %add3A_176 = arith.constant 0 : i32
      %add3A_177 = arith.addi %add3A_176, %mul3A_175 : i32
      %mul3A_178 = arith.constant 8 : i32
      %mul3A_179 = arith.muli %add3A_177, %mul3A_178 : i32
      %add3A_180 = arith.addi %mul3A_2, %mul3A_179 : i32
      %gt3A = arith.constant 0 : i32
      %gt3A_181 = arith.cmpi sgt, %add3A_177, %gt3A : i32
      %convert_element_type3A = arith.extui %gt3A_181 : i1 to i32
      %cond3A = arith.constant 0 : i32
      %cond3A_182 = arith.cmpi ne, %convert_element_type3A, %cond3A : i32
      scf.if %cond3A_182 {
        %dma_wait3A_529 = arith.constant 0 : i32
        %dma_wait3A_530 = arith.constant 0 : i32
        %dma_wait3A_531 = arith.constant 0 : i32
        %dma_wait3A_532 = arith.constant 0 : i32
        %dma_wait3A_533 = tpu.memref_slice %arg4[%dma_wait3A_529, %dma_wait3A_531, %dma_wait3A_532] : memref<16384x200x128xf32, #tpu.memory_space<hbm>> -> memref<1x200x64xf32, #tpu.memory_space<hbm>>
        %dma_wait3A_534 = tpu.memref_squeeze %dma_wait3A_533 : memref<1x200x64xf32, #tpu.memory_space<hbm>> -> memref<200x64xf32, #tpu.memory_space<hbm>>
        %dma_wait3A_535 = tpu.memref_slice %arg23[%dma_wait3A_530] : memref<8x!tpu.dma_semaphore, #tpu.memory_space<semaphore_mem>> -> memref<1x!tpu.dma_semaphore, #tpu.memory_space<semaphore_mem>>
        %dma_wait3A_536 = tpu.memref_squeeze %dma_wait3A_535 : memref<1x!tpu.dma_semaphore, #tpu.memory_space<semaphore_mem>> -> memref<!tpu.dma_semaphore, #tpu.memory_space<semaphore_mem>>
        %dma_wait3A_537 = arith.constant 0 : i32
        %dma_wait3A_538 = arith.constant 0 : i32
        %dma_wait3A_539 = tpu.memref_slice %arg4[%dma_wait3A_529, %dma_wait3A_537, %dma_wait3A_538] : memref<16384x200x128xf32, #tpu.memory_space<hbm>> -> memref<1x200x64xf32, #tpu.memory_space<hbm>>
        %dma_wait3A_540 = tpu.memref_squeeze %dma_wait3A_539 : memref<1x200x64xf32, #tpu.memory_space<hbm>> -> memref<200x64xf32, #tpu.memory_space<hbm>>
        tpu.wait_dma2 semaphore(%dma_wait3A_536 : memref<!tpu.dma_semaphore, #tpu.memory_space<semaphore_mem>>) src(%arg13 : memref<200x64xf32, #tpu.memory_space<vmem>>) dst(%dma_wait3A_540 : memref<200x64xf32, #tpu.memory_space<hbm>>)
      } else {
      }
      %dma_wait3A_183 = arith.constant 0 : i32
      %dma_wait3A_184 = arith.constant 0 : i32
      %dma_wait3A_185 = tpu.memref_slice %arg2[%dma_wait3A_184] : memref<3276800xi32, #tpu.memory_space<hbm>> -> memref<200xi32, #tpu.memory_space<hbm>>
      %dma_wait3A_186 = tpu.memref_slice %arg21[%dma_wait3A_183] : memref<8x!tpu.dma_semaphore, #tpu.memory_space<semaphore_mem>> -> memref<1x!tpu.dma_semaphore, #tpu.memory_space<semaphore_mem>>
      %dma_wait3A_187 = tpu.memref_squeeze %dma_wait3A_186 : memref<1x!tpu.dma_semaphore, #tpu.memory_space<semaphore_mem>> -> memref<!tpu.dma_semaphore, #tpu.memory_space<semaphore_mem>>
      %dma_wait3A_188 = arith.constant 0 : i32
      %dma_wait3A_189 = tpu.memref_slice %arg2[%dma_wait3A_188] : memref<3276800xi32, #tpu.memory_space<hbm>> -> memref<200xi32, #tpu.memory_space<hbm>>
      tpu.wait_dma2 semaphore(%dma_wait3A_187 : memref<!tpu.dma_semaphore, #tpu.memory_space<semaphore_mem>>) src(%dma_wait3A_189 : memref<200xi32, #tpu.memory_space<hbm>>) dst(%arg5 : memref<200xi32, #tpu.memory_space<vmem>>)
      %dma_start3A_190 = arith.constant 0 : i32
      %dma_start3A_191 = arith.constant 0 : i32
      %dma_start3A_192 = arith.constant 0 : i32
      %dma_start3A_193 = tpu.memref_slice %arg3[%dma_start3A_191, %dma_start3A_192] : memref<1000000x64xf32, #tpu.memory_space<hbm>> -> memref<1000000x64xf32, #tpu.memory_space<hbm>>
      %dma_start3A_194 = tpu.memref_slice %arg22[%dma_start3A_190] : memref<8x!tpu.dma_semaphore, #tpu.memory_space<semaphore_mem>> -> memref<1x!tpu.dma_semaphore, #tpu.memory_space<semaphore_mem>>
      %dma_start3A_195 = tpu.memref_squeeze %dma_start3A_194 : memref<1x!tpu.dma_semaphore, #tpu.memory_space<semaphore_mem>> -> memref<!tpu.dma_semaphore, #tpu.memory_space<semaphore_mem>>
      tpu.enqueue_indirect_dma source(%dma_start3A_193 : memref<1000000x64xf32, #tpu.memory_space<hbm>>) target(%arg13 : memref<200x64xf32, #tpu.memory_space<vmem>>) offsets(%arg5 : memref<200xi32, #tpu.memory_space<vmem>>) semaphore(%dma_start3A_195 : memref<!tpu.dma_semaphore, #tpu.memory_space<semaphore_mem>>)
      %gt3A_196 = arith.constant 0 : i32
      %gt3A_197 = arith.cmpi sgt, %add3A_177, %gt3A_196 : i32
      %convert_element_type3A_198 = arith.extui %gt3A_197 : i1 to i32
      %cond3A_199 = arith.constant 0 : i32
      %cond3A_200 = arith.cmpi ne, %convert_element_type3A_198, %cond3A_199 : i32
      scf.if %cond3A_200 {
        %dma_wait3A_529 = arith.constant 0 : i32
        %dma_wait3A_530 = arith.constant 1 : i32
        %dma_wait3A_531 = arith.constant 0 : i32
        %dma_wait3A_532 = arith.constant 0 : i32
        %dma_wait3A_533 = tpu.memref_slice %arg4[%dma_wait3A_529, %dma_wait3A_531, %dma_wait3A_532] : memref<16384x200x128xf32, #tpu.memory_space<hbm>> -> memref<1x200x64xf32, #tpu.memory_space<hbm>>
        %dma_wait3A_534 = tpu.memref_squeeze %dma_wait3A_533 : memref<1x200x64xf32, #tpu.memory_space<hbm>> -> memref<200x64xf32, #tpu.memory_space<hbm>>
        %dma_wait3A_535 = tpu.memref_slice %arg23[%dma_wait3A_530] : memref<8x!tpu.dma_semaphore, #tpu.memory_space<semaphore_mem>> -> memref<1x!tpu.dma_semaphore, #tpu.memory_space<semaphore_mem>>
        %dma_wait3A_536 = tpu.memref_squeeze %dma_wait3A_535 : memref<1x!tpu.dma_semaphore, #tpu.memory_space<semaphore_mem>> -> memref<!tpu.dma_semaphore, #tpu.memory_space<semaphore_mem>>
        %dma_wait3A_537 = arith.constant 0 : i32
        %dma_wait3A_538 = arith.constant 0 : i32
        %dma_wait3A_539 = tpu.memref_slice %arg4[%dma_wait3A_529, %dma_wait3A_537, %dma_wait3A_538] : memref<16384x200x128xf32, #tpu.memory_space<hbm>> -> memref<1x200x64xf32, #tpu.memory_space<hbm>>
        %dma_wait3A_540 = tpu.memref_squeeze %dma_wait3A_539 : memref<1x200x64xf32, #tpu.memory_space<hbm>> -> memref<200x64xf32, #tpu.memory_space<hbm>>
        tpu.wait_dma2 semaphore(%dma_wait3A_536 : memref<!tpu.dma_semaphore, #tpu.memory_space<semaphore_mem>>) src(%arg14 : memref<200x64xf32, #tpu.memory_space<vmem>>) dst(%dma_wait3A_540 : memref<200x64xf32, #tpu.memory_space<hbm>>)
      } else {
      }
      %dma_wait3A_201 = arith.constant 1 : i32
      %dma_wait3A_202 = arith.constant 0 : i32
      %dma_wait3A_203 = tpu.memref_slice %arg2[%dma_wait3A_202] : memref<3276800xi32, #tpu.memory_space<hbm>> -> memref<200xi32, #tpu.memory_space<hbm>>
      %dma_wait3A_204 = tpu.memref_slice %arg21[%dma_wait3A_201] : memref<8x!tpu.dma_semaphore, #tpu.memory_space<semaphore_mem>> -> memref<1x!tpu.dma_semaphore, #tpu.memory_space<semaphore_mem>>
      %dma_wait3A_205 = tpu.memref_squeeze %dma_wait3A_204 : memref<1x!tpu.dma_semaphore, #tpu.memory_space<semaphore_mem>> -> memref<!tpu.dma_semaphore, #tpu.memory_space<semaphore_mem>>
      %dma_wait3A_206 = arith.constant 0 : i32
      %dma_wait3A_207 = tpu.memref_slice %arg2[%dma_wait3A_206] : memref<3276800xi32, #tpu.memory_space<hbm>> -> memref<200xi32, #tpu.memory_space<hbm>>
      tpu.wait_dma2 semaphore(%dma_wait3A_205 : memref<!tpu.dma_semaphore, #tpu.memory_space<semaphore_mem>>) src(%dma_wait3A_207 : memref<200xi32, #tpu.memory_space<hbm>>) dst(%arg6 : memref<200xi32, #tpu.memory_space<vmem>>)
      %dma_start3A_208 = arith.constant 1 : i32
      %dma_start3A_209 = arith.constant 0 : i32
      %dma_start3A_210 = arith.constant 0 : i32
      %dma_start3A_211 = tpu.memref_slice %arg3[%dma_start3A_209, %dma_start3A_210] : memref<1000000x64xf32, #tpu.memory_space<hbm>> -> memref<1000000x64xf32, #tpu.memory_space<hbm>>
      %dma_start3A_212 = tpu.memref_slice %arg22[%dma_start3A_208] : memref<8x!tpu.dma_semaphore, #tpu.memory_space<semaphore_mem>> -> memref<1x!tpu.dma_semaphore, #tpu.memory_space<semaphore_mem>>
      %dma_start3A_213 = tpu.memref_squeeze %dma_start3A_212 : memref<1x!tpu.dma_semaphore, #tpu.memory_space<semaphore_mem>> -> memref<!tpu.dma_semaphore, #tpu.memory_space<semaphore_mem>>
      tpu.enqueue_indirect_dma source(%dma_start3A_211 : memref<1000000x64xf32, #tpu.memory_space<hbm>>) target(%arg14 : memref<200x64xf32, #tpu.memory_space<vmem>>) offsets(%arg6 : memref<200xi32, #tpu.memory_space<vmem>>) semaphore(%dma_start3A_213 : memref<!tpu.dma_semaphore, #tpu.memory_space<semaphore_mem>>)
      %gt3A_214 = arith.constant 0 : i32
      %gt3A_215 = arith.cmpi sgt, %add3A_177, %gt3A_214 : i32
      %convert_element_type3A_216 = arith.extui %gt3A_215 : i1 to i32
      %cond3A_217 = arith.constant 0 : i32
      %cond3A_218 = arith.cmpi ne, %convert_element_type3A_216, %cond3A_217 : i32
      scf.if %cond3A_218 {
        %dma_wait3A_529 = arith.constant 0 : i32
        %dma_wait3A_530 = arith.constant 2 : i32
        %dma_wait3A_531 = arith.constant 0 : i32
        %dma_wait3A_532 = arith.constant 0 : i32
        %dma_wait3A_533 = tpu.memref_slice %arg4[%dma_wait3A_529, %dma_wait3A_531, %dma_wait3A_532] : memref<16384x200x128xf32, #tpu.memory_space<hbm>> -> memref<1x200x64xf32, #tpu.memory_space<hbm>>
        %dma_wait3A_534 = tpu.memref_squeeze %dma_wait3A_533 : memref<1x200x64xf32, #tpu.memory_space<hbm>> -> memref<200x64xf32, #tpu.memory_space<hbm>>
        %dma_wait3A_535 = tpu.memref_slice %arg23[%dma_wait3A_530] : memref<8x!tpu.dma_semaphore, #tpu.memory_space<semaphore_mem>> -> memref<1x!tpu.dma_semaphore, #tpu.memory_space<semaphore_mem>>
        %dma_wait3A_536 = tpu.memref_squeeze %dma_wait3A_535 : memref<1x!tpu.dma_semaphore, #tpu.memory_space<semaphore_mem>> -> memref<!tpu.dma_semaphore, #tpu.memory_space<semaphore_mem>>
        %dma_wait3A_537 = arith.constant 0 : i32
        %dma_wait3A_538 = arith.constant 0 : i32
        %dma_wait3A_539 = tpu.memref_slice %arg4[%dma_wait3A_529, %dma_wait3A_537, %dma_wait3A_538] : memref<16384x200x128xf32, #tpu.memory_space<hbm>> -> memref<1x200x64xf32, #tpu.memory_space<hbm>>
        %dma_wait3A_540 = tpu.memref_squeeze %dma_wait3A_539 : memref<1x200x64xf32, #tpu.memory_space<hbm>> -> memref<200x64xf32, #tpu.memory_space<hbm>>
        tpu.wait_dma2 semaphore(%dma_wait3A_536 : memref<!tpu.dma_semaphore, #tpu.memory_space<semaphore_mem>>) src(%arg15 : memref<200x64xf32, #tpu.memory_space<vmem>>) dst(%dma_wait3A_540 : memref<200x64xf32, #tpu.memory_space<hbm>>)
      } else {
      }
      %dma_wait3A_219 = arith.constant 2 : i32
      %dma_wait3A_220 = arith.constant 0 : i32
      %dma_wait3A_221 = tpu.memref_slice %arg2[%dma_wait3A_220] : memref<3276800xi32, #tpu.memory_space<hbm>> -> memref<200xi32, #tpu.memory_space<hbm>>
      %dma_wait3A_222 = tpu.memref_slice %arg21[%dma_wait3A_219] : memref<8x!tpu.dma_semaphore, #tpu.memory_space<semaphore_mem>> -> memref<1x!tpu.dma_semaphore, #tpu.memory_space<semaphore_mem>>
      %dma_wait3A_223 = tpu.memref_squeeze %dma_wait3A_222 : memref<1x!tpu.dma_semaphore, #tpu.memory_space<semaphore_mem>> -> memref<!tpu.dma_semaphore, #tpu.memory_space<semaphore_mem>>
      %dma_wait3A_224 = arith.constant 0 : i32
      %dma_wait3A_225 = tpu.memref_slice %arg2[%dma_wait3A_224] : memref<3276800xi32, #tpu.memory_space<hbm>> -> memref<200xi32, #tpu.memory_space<hbm>>
      tpu.wait_dma2 semaphore(%dma_wait3A_223 : memref<!tpu.dma_semaphore, #tpu.memory_space<semaphore_mem>>) src(%dma_wait3A_225 : memref<200xi32, #tpu.memory_space<hbm>>) dst(%arg7 : memref<200xi32, #tpu.memory_space<vmem>>)
      %dma_start3A_226 = arith.constant 2 : i32
      %dma_start3A_227 = arith.constant 0 : i32
      %dma_start3A_228 = arith.constant 0 : i32
      %dma_start3A_229 = tpu.memref_slice %arg3[%dma_start3A_227, %dma_start3A_228] : memref<1000000x64xf32, #tpu.memory_space<hbm>> -> memref<1000000x64xf32, #tpu.memory_space<hbm>>
      %dma_start3A_230 = tpu.memref_slice %arg22[%dma_start3A_226] : memref<8x!tpu.dma_semaphore, #tpu.memory_space<semaphore_mem>> -> memref<1x!tpu.dma_semaphore, #tpu.memory_space<semaphore_mem>>
      %dma_start3A_231 = tpu.memref_squeeze %dma_start3A_230 : memref<1x!tpu.dma_semaphore, #tpu.memory_space<semaphore_mem>> -> memref<!tpu.dma_semaphore, #tpu.memory_space<semaphore_mem>>
      tpu.enqueue_indirect_dma source(%dma_start3A_229 : memref<1000000x64xf32, #tpu.memory_space<hbm>>) target(%arg15 : memref<200x64xf32, #tpu.memory_space<vmem>>) offsets(%arg7 : memref<200xi32, #tpu.memory_space<vmem>>) semaphore(%dma_start3A_231 : memref<!tpu.dma_semaphore, #tpu.memory_space<semaphore_mem>>)
      %gt3A_232 = arith.constant 0 : i32
      %gt3A_233 = arith.cmpi sgt, %add3A_177, %gt3A_232 : i32
      %convert_element_type3A_234 = arith.extui %gt3A_233 : i1 to i32
      %cond3A_235 = arith.constant 0 : i32
      %cond3A_236 = arith.cmpi ne, %convert_element_type3A_234, %cond3A_235 : i32
      scf.if %cond3A_236 {
        %dma_wait3A_529 = arith.constant 0 : i32
        %dma_wait3A_530 = arith.constant 3 : i32
        %dma_wait3A_531 = arith.constant 0 : i32
        %dma_wait3A_532 = arith.constant 0 : i32
        %dma_wait3A_533 = tpu.memref_slice %arg4[%dma_wait3A_529, %dma_wait3A_531, %dma_wait3A_532] : memref<16384x200x128xf32, #tpu.memory_space<hbm>> -> memref<1x200x64xf32, #tpu.memory_space<hbm>>
        %dma_wait3A_534 = tpu.memref_squeeze %dma_wait3A_533 : memref<1x200x64xf32, #tpu.memory_space<hbm>> -> memref<200x64xf32, #tpu.memory_space<hbm>>
        %dma_wait3A_535 = tpu.memref_slice %arg23[%dma_wait3A_530] : memref<8x!tpu.dma_semaphore, #tpu.memory_space<semaphore_mem>> -> memref<1x!tpu.dma_semaphore, #tpu.memory_space<semaphore_mem>>
        %dma_wait3A_536 = tpu.memref_squeeze %dma_wait3A_535 : memref<1x!tpu.dma_semaphore, #tpu.memory_space<semaphore_mem>> -> memref<!tpu.dma_semaphore, #tpu.memory_space<semaphore_mem>>
        %dma_wait3A_537 = arith.constant 0 : i32
        %dma_wait3A_538 = arith.constant 0 : i32
        %dma_wait3A_539 = tpu.memref_slice %arg4[%dma_wait3A_529, %dma_wait3A_537, %dma_wait3A_538] : memref<16384x200x128xf32, #tpu.memory_space<hbm>> -> memref<1x200x64xf32, #tpu.memory_space<hbm>>
        %dma_wait3A_540 = tpu.memref_squeeze %dma_wait3A_539 : memref<1x200x64xf32, #tpu.memory_space<hbm>> -> memref<200x64xf32, #tpu.memory_space<hbm>>
        tpu.wait_dma2 semaphore(%dma_wait3A_536 : memref<!tpu.dma_semaphore, #tpu.memory_space<semaphore_mem>>) src(%arg16 : memref<200x64xf32, #tpu.memory_space<vmem>>) dst(%dma_wait3A_540 : memref<200x64xf32, #tpu.memory_space<hbm>>)
      } else {
      }
      %dma_wait3A_237 = arith.constant 3 : i32
      %dma_wait3A_238 = arith.constant 0 : i32
      %dma_wait3A_239 = tpu.memref_slice %arg2[%dma_wait3A_238] : memref<3276800xi32, #tpu.memory_space<hbm>> -> memref<200xi32, #tpu.memory_space<hbm>>
      %dma_wait3A_240 = tpu.memref_slice %arg21[%dma_wait3A_237] : memref<8x!tpu.dma_semaphore, #tpu.memory_space<semaphore_mem>> -> memref<1x!tpu.dma_semaphore, #tpu.memory_space<semaphore_mem>>
      %dma_wait3A_241 = tpu.memref_squeeze %dma_wait3A_240 : memref<1x!tpu.dma_semaphore, #tpu.memory_space<semaphore_mem>> -> memref<!tpu.dma_semaphore, #tpu.memory_space<semaphore_mem>>
      %dma_wait3A_242 = arith.constant 0 : i32
      %dma_wait3A_243 = tpu.memref_slice %arg2[%dma_wait3A_242] : memref<3276800xi32, #tpu.memory_space<hbm>> -> memref<200xi32, #tpu.memory_space<hbm>>
      tpu.wait_dma2 semaphore(%dma_wait3A_241 : memref<!tpu.dma_semaphore, #tpu.memory_space<semaphore_mem>>) src(%dma_wait3A_243 : memref<200xi32, #tpu.memory_space<hbm>>) dst(%arg8 : memref<200xi32, #tpu.memory_space<vmem>>)
      %dma_start3A_244 = arith.constant 3 : i32
      %dma_start3A_245 = arith.constant 0 : i32
      %dma_start3A_246 = arith.constant 0 : i32
      %dma_start3A_247 = tpu.memref_slice %arg3[%dma_start3A_245, %dma_start3A_246] : memref<1000000x64xf32, #tpu.memory_space<hbm>> -> memref<1000000x64xf32, #tpu.memory_space<hbm>>
      %dma_start3A_248 = tpu.memref_slice %arg22[%dma_start3A_244] : memref<8x!tpu.dma_semaphore, #tpu.memory_space<semaphore_mem>> -> memref<1x!tpu.dma_semaphore, #tpu.memory_space<semaphore_mem>>
      %dma_start3A_249 = tpu.memref_squeeze %dma_start3A_248 : memref<1x!tpu.dma_semaphore, #tpu.memory_space<semaphore_mem>> -> memref<!tpu.dma_semaphore, #tpu.memory_space<semaphore_mem>>
      tpu.enqueue_indirect_dma source(%dma_start3A_247 : memref<1000000x64xf32, #tpu.memory_space<hbm>>) target(%arg16 : memref<200x64xf32, #tpu.memory_space<vmem>>) offsets(%arg8 : memref<200xi32, #tpu.memory_space<vmem>>) semaphore(%dma_start3A_249 : memref<!tpu.dma_semaphore, #tpu.memory_space<semaphore_mem>>)
      %gt3A_250 = arith.constant 0 : i32
      %gt3A_251 = arith.cmpi sgt, %add3A_177, %gt3A_250 : i32
      %convert_element_type3A_252 = arith.extui %gt3A_251 : i1 to i32
      %cond3A_253 = arith.constant 0 : i32
      %cond3A_254 = arith.cmpi ne, %convert_element_type3A_252, %cond3A_253 : i32
      scf.if %cond3A_254 {
        %dma_wait3A_529 = arith.constant 0 : i32
        %dma_wait3A_530 = arith.constant 4 : i32
        %dma_wait3A_531 = arith.constant 0 : i32
        %dma_wait3A_532 = arith.constant 0 : i32
        %dma_wait3A_533 = tpu.memref_slice %arg4[%dma_wait3A_529, %dma_wait3A_531, %dma_wait3A_532] : memref<16384x200x128xf32, #tpu.memory_space<hbm>> -> memref<1x200x64xf32, #tpu.memory_space<hbm>>
        %dma_wait3A_534 = tpu.memref_squeeze %dma_wait3A_533 : memref<1x200x64xf32, #tpu.memory_space<hbm>> -> memref<200x64xf32, #tpu.memory_space<hbm>>
        %dma_wait3A_535 = tpu.memref_slice %arg23[%dma_wait3A_530] : memref<8x!tpu.dma_semaphore, #tpu.memory_space<semaphore_mem>> -> memref<1x!tpu.dma_semaphore, #tpu.memory_space<semaphore_mem>>
        %dma_wait3A_536 = tpu.memref_squeeze %dma_wait3A_535 : memref<1x!tpu.dma_semaphore, #tpu.memory_space<semaphore_mem>> -> memref<!tpu.dma_semaphore, #tpu.memory_space<semaphore_mem>>
        %dma_wait3A_537 = arith.constant 0 : i32
        %dma_wait3A_538 = arith.constant 0 : i32
        %dma_wait3A_539 = tpu.memref_slice %arg4[%dma_wait3A_529, %dma_wait3A_537, %dma_wait3A_538] : memref<16384x200x128xf32, #tpu.memory_space<hbm>> -> memref<1x200x64xf32, #tpu.memory_space<hbm>>
        %dma_wait3A_540 = tpu.memref_squeeze %dma_wait3A_539 : memref<1x200x64xf32, #tpu.memory_space<hbm>> -> memref<200x64xf32, #tpu.memory_space<hbm>>
        tpu.wait_dma2 semaphore(%dma_wait3A_536 : memref<!tpu.dma_semaphore, #tpu.memory_space<semaphore_mem>>) src(%arg17 : memref<200x64xf32, #tpu.memory_space<vmem>>) dst(%dma_wait3A_540 : memref<200x64xf32, #tpu.memory_space<hbm>>)
      } else {
      }
      %dma_wait3A_255 = arith.constant 4 : i32
      %dma_wait3A_256 = arith.constant 0 : i32
      %dma_wait3A_257 = tpu.memref_slice %arg2[%dma_wait3A_256] : memref<3276800xi32, #tpu.memory_space<hbm>> -> memref<200xi32, #tpu.memory_space<hbm>>
      %dma_wait3A_258 = tpu.memref_slice %arg21[%dma_wait3A_255] : memref<8x!tpu.dma_semaphore, #tpu.memory_space<semaphore_mem>> -> memref<1x!tpu.dma_semaphore, #tpu.memory_space<semaphore_mem>>
      %dma_wait3A_259 = tpu.memref_squeeze %dma_wait3A_258 : memref<1x!tpu.dma_semaphore, #tpu.memory_space<semaphore_mem>> -> memref<!tpu.dma_semaphore, #tpu.memory_space<semaphore_mem>>
      %dma_wait3A_260 = arith.constant 0 : i32
      %dma_wait3A_261 = tpu.memref_slice %arg2[%dma_wait3A_260] : memref<3276800xi32, #tpu.memory_space<hbm>> -> memref<200xi32, #tpu.memory_space<hbm>>
      tpu.wait_dma2 semaphore(%dma_wait3A_259 : memref<!tpu.dma_semaphore, #tpu.memory_space<semaphore_mem>>) src(%dma_wait3A_261 : memref<200xi32, #tpu.memory_space<hbm>>) dst(%arg9 : memref<200xi32, #tpu.memory_space<vmem>>)
      %dma_start3A_262 = arith.constant 4 : i32
      %dma_start3A_263 = arith.constant 0 : i32
      %dma_start3A_264 = arith.constant 0 : i32
      %dma_start3A_265 = tpu.memref_slice %arg3[%dma_start3A_263, %dma_start3A_264] : memref<1000000x64xf32, #tpu.memory_space<hbm>> -> memref<1000000x64xf32, #tpu.memory_space<hbm>>
      %dma_start3A_266 = tpu.memref_slice %arg22[%dma_start3A_262] : memref<8x!tpu.dma_semaphore, #tpu.memory_space<semaphore_mem>> -> memref<1x!tpu.dma_semaphore, #tpu.memory_space<semaphore_mem>>
      %dma_start3A_267 = tpu.memref_squeeze %dma_start3A_266 : memref<1x!tpu.dma_semaphore, #tpu.memory_space<semaphore_mem>> -> memref<!tpu.dma_semaphore, #tpu.memory_space<semaphore_mem>>
      tpu.enqueue_indirect_dma source(%dma_start3A_265 : memref<1000000x64xf32, #tpu.memory_space<hbm>>) target(%arg17 : memref<200x64xf32, #tpu.memory_space<vmem>>) offsets(%arg9 : memref<200xi32, #tpu.memory_space<vmem>>) semaphore(%dma_start3A_267 : memref<!tpu.dma_semaphore, #tpu.memory_space<semaphore_mem>>)
      %gt3A_268 = arith.constant 0 : i32
      %gt3A_269 = arith.cmpi sgt, %add3A_177, %gt3A_268 : i32
      %convert_element_type3A_270 = arith.extui %gt3A_269 : i1 to i32
      %cond3A_271 = arith.constant 0 : i32
      %cond3A_272 = arith.cmpi ne, %convert_element_type3A_270, %cond3A_271 : i32
      scf.if %cond3A_272 {
        %dma_wait3A_529 = arith.constant 0 : i32
        %dma_wait3A_530 = arith.constant 5 : i32
        %dma_wait3A_531 = arith.constant 0 : i32
        %dma_wait3A_532 = arith.constant 0 : i32
        %dma_wait3A_533 = tpu.memref_slice %arg4[%dma_wait3A_529, %dma_wait3A_531, %dma_wait3A_532] : memref<16384x200x128xf32, #tpu.memory_space<hbm>> -> memref<1x200x64xf32, #tpu.memory_space<hbm>>
        %dma_wait3A_534 = tpu.memref_squeeze %dma_wait3A_533 : memref<1x200x64xf32, #tpu.memory_space<hbm>> -> memref<200x64xf32, #tpu.memory_space<hbm>>
        %dma_wait3A_535 = tpu.memref_slice %arg23[%dma_wait3A_530] : memref<8x!tpu.dma_semaphore, #tpu.memory_space<semaphore_mem>> -> memref<1x!tpu.dma_semaphore, #tpu.memory_space<semaphore_mem>>
        %dma_wait3A_536 = tpu.memref_squeeze %dma_wait3A_535 : memref<1x!tpu.dma_semaphore, #tpu.memory_space<semaphore_mem>> -> memref<!tpu.dma_semaphore, #tpu.memory_space<semaphore_mem>>
        %dma_wait3A_537 = arith.constant 0 : i32
        %dma_wait3A_538 = arith.constant 0 : i32
        %dma_wait3A_539 = tpu.memref_slice %arg4[%dma_wait3A_529, %dma_wait3A_537, %dma_wait3A_538] : memref<16384x200x128xf32, #tpu.memory_space<hbm>> -> memref<1x200x64xf32, #tpu.memory_space<hbm>>
        %dma_wait3A_540 = tpu.memref_squeeze %dma_wait3A_539 : memref<1x200x64xf32, #tpu.memory_space<hbm>> -> memref<200x64xf32, #tpu.memory_space<hbm>>
        tpu.wait_dma2 semaphore(%dma_wait3A_536 : memref<!tpu.dma_semaphore, #tpu.memory_space<semaphore_mem>>) src(%arg18 : memref<200x64xf32, #tpu.memory_space<vmem>>) dst(%dma_wait3A_540 : memref<200x64xf32, #tpu.memory_space<hbm>>)
      } else {
      }
      %dma_wait3A_273 = arith.constant 5 : i32
      %dma_wait3A_274 = arith.constant 0 : i32
      %dma_wait3A_275 = tpu.memref_slice %arg2[%dma_wait3A_274] : memref<3276800xi32, #tpu.memory_space<hbm>> -> memref<200xi32, #tpu.memory_space<hbm>>
      %dma_wait3A_276 = tpu.memref_slice %arg21[%dma_wait3A_273] : memref<8x!tpu.dma_semaphore, #tpu.memory_space<semaphore_mem>> -> memref<1x!tpu.dma_semaphore, #tpu.memory_space<semaphore_mem>>
      %dma_wait3A_277 = tpu.memref_squeeze %dma_wait3A_276 : memref<1x!tpu.dma_semaphore, #tpu.memory_space<semaphore_mem>> -> memref<!tpu.dma_semaphore, #tpu.memory_space<semaphore_mem>>
      %dma_wait3A_278 = arith.constant 0 : i32
      %dma_wait3A_279 = tpu.memref_slice %arg2[%dma_wait3A_278] : memref<3276800xi32, #tpu.memory_space<hbm>> -> memref<200xi32, #tpu.memory_space<hbm>>
      tpu.wait_dma2 semaphore(%dma_wait3A_277 : memref<!tpu.dma_semaphore, #tpu.memory_space<semaphore_mem>>) src(%dma_wait3A_279 : memref<200xi32, #tpu.memory_space<hbm>>) dst(%arg10 : memref<200xi32, #tpu.memory_space<vmem>>)
      %dma_start3A_280 = arith.constant 5 : i32
      %dma_start3A_281 = arith.constant 0 : i32
      %dma_start3A_282 = arith.constant 0 : i32
      %dma_start3A_283 = tpu.memref_slice %arg3[%dma_start3A_281, %dma_start3A_282] : memref<1000000x64xf32, #tpu.memory_space<hbm>> -> memref<1000000x64xf32, #tpu.memory_space<hbm>>
      %dma_start3A_284 = tpu.memref_slice %arg22[%dma_start3A_280] : memref<8x!tpu.dma_semaphore, #tpu.memory_space<semaphore_mem>> -> memref<1x!tpu.dma_semaphore, #tpu.memory_space<semaphore_mem>>
      %dma_start3A_285 = tpu.memref_squeeze %dma_start3A_284 : memref<1x!tpu.dma_semaphore, #tpu.memory_space<semaphore_mem>> -> memref<!tpu.dma_semaphore, #tpu.memory_space<semaphore_mem>>
      tpu.enqueue_indirect_dma source(%dma_start3A_283 : memref<1000000x64xf32, #tpu.memory_space<hbm>>) target(%arg18 : memref<200x64xf32, #tpu.memory_space<vmem>>) offsets(%arg10 : memref<200xi32, #tpu.memory_space<vmem>>) semaphore(%dma_start3A_285 : memref<!tpu.dma_semaphore, #tpu.memory_space<semaphore_mem>>)
      %gt3A_286 = arith.constant 0 : i32
      %gt3A_287 = arith.cmpi sgt, %add3A_177, %gt3A_286 : i32
      %convert_element_type3A_288 = arith.extui %gt3A_287 : i1 to i32
      %cond3A_289 = arith.constant 0 : i32
      %cond3A_290 = arith.cmpi ne, %convert_element_type3A_288, %cond3A_289 : i32
      scf.if %cond3A_290 {
        %dma_wait3A_529 = arith.constant 0 : i32
        %dma_wait3A_530 = arith.constant 6 : i32
        %dma_wait3A_531 = arith.constant 0 : i32
        %dma_wait3A_532 = arith.constant 0 : i32
        %dma_wait3A_533 = tpu.memref_slice %arg4[%dma_wait3A_529, %dma_wait3A_531, %dma_wait3A_532] : memref<16384x200x128xf32, #tpu.memory_space<hbm>> -> memref<1x200x64xf32, #tpu.memory_space<hbm>>
        %dma_wait3A_534 = tpu.memref_squeeze %dma_wait3A_533 : memref<1x200x64xf32, #tpu.memory_space<hbm>> -> memref<200x64xf32, #tpu.memory_space<hbm>>
        %dma_wait3A_535 = tpu.memref_slice %arg23[%dma_wait3A_530] : memref<8x!tpu.dma_semaphore, #tpu.memory_space<semaphore_mem>> -> memref<1x!tpu.dma_semaphore, #tpu.memory_space<semaphore_mem>>
        %dma_wait3A_536 = tpu.memref_squeeze %dma_wait3A_535 : memref<1x!tpu.dma_semaphore, #tpu.memory_space<semaphore_mem>> -> memref<!tpu.dma_semaphore, #tpu.memory_space<semaphore_mem>>
        %dma_wait3A_537 = arith.constant 0 : i32
        %dma_wait3A_538 = arith.constant 0 : i32
        %dma_wait3A_539 = tpu.memref_slice %arg4[%dma_wait3A_529, %dma_wait3A_537, %dma_wait3A_538] : memref<16384x200x128xf32, #tpu.memory_space<hbm>> -> memref<1x200x64xf32, #tpu.memory_space<hbm>>
        %dma_wait3A_540 = tpu.memref_squeeze %dma_wait3A_539 : memref<1x200x64xf32, #tpu.memory_space<hbm>> -> memref<200x64xf32, #tpu.memory_space<hbm>>
        tpu.wait_dma2 semaphore(%dma_wait3A_536 : memref<!tpu.dma_semaphore, #tpu.memory_space<semaphore_mem>>) src(%arg19 : memref<200x64xf32, #tpu.memory_space<vmem>>) dst(%dma_wait3A_540 : memref<200x64xf32, #tpu.memory_space<hbm>>)
      } else {
      }
      %dma_wait3A_291 = arith.constant 6 : i32
      %dma_wait3A_292 = arith.constant 0 : i32
      %dma_wait3A_293 = tpu.memref_slice %arg2[%dma_wait3A_292] : memref<3276800xi32, #tpu.memory_space<hbm>> -> memref<200xi32, #tpu.memory_space<hbm>>
      %dma_wait3A_294 = tpu.memref_slice %arg21[%dma_wait3A_291] : memref<8x!tpu.dma_semaphore, #tpu.memory_space<semaphore_mem>> -> memref<1x!tpu.dma_semaphore, #tpu.memory_space<semaphore_mem>>
      %dma_wait3A_295 = tpu.memref_squeeze %dma_wait3A_294 : memref<1x!tpu.dma_semaphore, #tpu.memory_space<semaphore_mem>> -> memref<!tpu.dma_semaphore, #tpu.memory_space<semaphore_mem>>
      %dma_wait3A_296 = arith.constant 0 : i32
      %dma_wait3A_297 = tpu.memref_slice %arg2[%dma_wait3A_296] : memref<3276800xi32, #tpu.memory_space<hbm>> -> memref<200xi32, #tpu.memory_space<hbm>>
      tpu.wait_dma2 semaphore(%dma_wait3A_295 : memref<!tpu.dma_semaphore, #tpu.memory_space<semaphore_mem>>) src(%dma_wait3A_297 : memref<200xi32, #tpu.memory_space<hbm>>) dst(%arg11 : memref<200xi32, #tpu.memory_space<vmem>>)
      %dma_start3A_298 = arith.constant 6 : i32
      %dma_start3A_299 = arith.constant 0 : i32
      %dma_start3A_300 = arith.constant 0 : i32
      %dma_start3A_301 = tpu.memref_slice %arg3[%dma_start3A_299, %dma_start3A_300] : memref<1000000x64xf32, #tpu.memory_space<hbm>> -> memref<1000000x64xf32, #tpu.memory_space<hbm>>
      %dma_start3A_302 = tpu.memref_slice %arg22[%dma_start3A_298] : memref<8x!tpu.dma_semaphore, #tpu.memory_space<semaphore_mem>> -> memref<1x!tpu.dma_semaphore, #tpu.memory_space<semaphore_mem>>
      %dma_start3A_303 = tpu.memref_squeeze %dma_start3A_302 : memref<1x!tpu.dma_semaphore, #tpu.memory_space<semaphore_mem>> -> memref<!tpu.dma_semaphore, #tpu.memory_space<semaphore_mem>>
      tpu.enqueue_indirect_dma source(%dma_start3A_301 : memref<1000000x64xf32, #tpu.memory_space<hbm>>) target(%arg19 : memref<200x64xf32, #tpu.memory_space<vmem>>) offsets(%arg11 : memref<200xi32, #tpu.memory_space<vmem>>) semaphore(%dma_start3A_303 : memref<!tpu.dma_semaphore, #tpu.memory_space<semaphore_mem>>)
      %gt3A_304 = arith.constant 0 : i32
      %gt3A_305 = arith.cmpi sgt, %add3A_177, %gt3A_304 : i32
      %convert_element_type3A_306 = arith.extui %gt3A_305 : i1 to i32
      %cond3A_307 = arith.constant 0 : i32
      %cond3A_308 = arith.cmpi ne, %convert_element_type3A_306, %cond3A_307 : i32
      scf.if %cond3A_308 {
        %dma_wait3A_529 = arith.constant 0 : i32
        %dma_wait3A_530 = arith.constant 7 : i32
        %dma_wait3A_531 = arith.constant 0 : i32
        %dma_wait3A_532 = arith.constant 0 : i32
        %dma_wait3A_533 = tpu.memref_slice %arg4[%dma_wait3A_529, %dma_wait3A_531, %dma_wait3A_532] : memref<16384x200x128xf32, #tpu.memory_space<hbm>> -> memref<1x200x64xf32, #tpu.memory_space<hbm>>
        %dma_wait3A_534 = tpu.memref_squeeze %dma_wait3A_533 : memref<1x200x64xf32, #tpu.memory_space<hbm>> -> memref<200x64xf32, #tpu.memory_space<hbm>>
        %dma_wait3A_535 = tpu.memref_slice %arg23[%dma_wait3A_530] : memref<8x!tpu.dma_semaphore, #tpu.memory_space<semaphore_mem>> -> memref<1x!tpu.dma_semaphore, #tpu.memory_space<semaphore_mem>>
        %dma_wait3A_536 = tpu.memref_squeeze %dma_wait3A_535 : memref<1x!tpu.dma_semaphore, #tpu.memory_space<semaphore_mem>> -> memref<!tpu.dma_semaphore, #tpu.memory_space<semaphore_mem>>
        %dma_wait3A_537 = arith.constant 0 : i32
        %dma_wait3A_538 = arith.constant 0 : i32
        %dma_wait3A_539 = tpu.memref_slice %arg4[%dma_wait3A_529, %dma_wait3A_537, %dma_wait3A_538] : memref<16384x200x128xf32, #tpu.memory_space<hbm>> -> memref<1x200x64xf32, #tpu.memory_space<hbm>>
        %dma_wait3A_540 = tpu.memref_squeeze %dma_wait3A_539 : memref<1x200x64xf32, #tpu.memory_space<hbm>> -> memref<200x64xf32, #tpu.memory_space<hbm>>
        tpu.wait_dma2 semaphore(%dma_wait3A_536 : memref<!tpu.dma_semaphore, #tpu.memory_space<semaphore_mem>>) src(%arg20 : memref<200x64xf32, #tpu.memory_space<vmem>>) dst(%dma_wait3A_540 : memref<200x64xf32, #tpu.memory_space<hbm>>)
      } else {
      }
      %dma_wait3A_309 = arith.constant 7 : i32
      %dma_wait3A_310 = arith.constant 0 : i32
      %dma_wait3A_311 = tpu.memref_slice %arg2[%dma_wait3A_310] : memref<3276800xi32, #tpu.memory_space<hbm>> -> memref<200xi32, #tpu.memory_space<hbm>>
      %dma_wait3A_312 = tpu.memref_slice %arg21[%dma_wait3A_309] : memref<8x!tpu.dma_semaphore, #tpu.memory_space<semaphore_mem>> -> memref<1x!tpu.dma_semaphore, #tpu.memory_space<semaphore_mem>>
      %dma_wait3A_313 = tpu.memref_squeeze %dma_wait3A_312 : memref<1x!tpu.dma_semaphore, #tpu.memory_space<semaphore_mem>> -> memref<!tpu.dma_semaphore, #tpu.memory_space<semaphore_mem>>
      %dma_wait3A_314 = arith.constant 0 : i32
      %dma_wait3A_315 = tpu.memref_slice %arg2[%dma_wait3A_314] : memref<3276800xi32, #tpu.memory_space<hbm>> -> memref<200xi32, #tpu.memory_space<hbm>>
      tpu.wait_dma2 semaphore(%dma_wait3A_313 : memref<!tpu.dma_semaphore, #tpu.memory_space<semaphore_mem>>) src(%dma_wait3A_315 : memref<200xi32, #tpu.memory_space<hbm>>) dst(%arg12 : memref<200xi32, #tpu.memory_space<vmem>>)
      %dma_start3A_316 = arith.constant 7 : i32
      %dma_start3A_317 = arith.constant 0 : i32
      %dma_start3A_318 = arith.constant 0 : i32
      %dma_start3A_319 = tpu.memref_slice %arg3[%dma_start3A_317, %dma_start3A_318] : memref<1000000x64xf32, #tpu.memory_space<hbm>> -> memref<1000000x64xf32, #tpu.memory_space<hbm>>
      %dma_start3A_320 = tpu.memref_slice %arg22[%dma_start3A_316] : memref<8x!tpu.dma_semaphore, #tpu.memory_space<semaphore_mem>> -> memref<1x!tpu.dma_semaphore, #tpu.memory_space<semaphore_mem>>
      %dma_start3A_321 = tpu.memref_squeeze %dma_start3A_320 : memref<1x!tpu.dma_semaphore, #tpu.memory_space<semaphore_mem>> -> memref<!tpu.dma_semaphore, #tpu.memory_space<semaphore_mem>>
      tpu.enqueue_indirect_dma source(%dma_start3A_319 : memref<1000000x64xf32, #tpu.memory_space<hbm>>) target(%arg20 : memref<200x64xf32, #tpu.memory_space<vmem>>) offsets(%arg12 : memref<200xi32, #tpu.memory_space<vmem>>) semaphore(%dma_start3A_321 : memref<!tpu.dma_semaphore, #tpu.memory_space<semaphore_mem>>)
      %dma_wait3A_322 = arith.constant 0 : i32
      %dma_wait3A_323 = arith.constant 0 : i32
      %dma_wait3A_324 = arith.constant 0 : i32
      %dma_wait3A_325 = tpu.memref_slice %arg3[%dma_wait3A_323, %dma_wait3A_324] : memref<1000000x64xf32, #tpu.memory_space<hbm>> -> memref<1000000x64xf32, #tpu.memory_space<hbm>>
      %dma_wait3A_326 = tpu.memref_slice %arg22[%dma_wait3A_322] : memref<8x!tpu.dma_semaphore, #tpu.memory_space<semaphore_mem>> -> memref<1x!tpu.dma_semaphore, #tpu.memory_space<semaphore_mem>>
      %dma_wait3A_327 = tpu.memref_squeeze %dma_wait3A_326 : memref<1x!tpu.dma_semaphore, #tpu.memory_space<semaphore_mem>> -> memref<!tpu.dma_semaphore, #tpu.memory_space<semaphore_mem>>
      tpu.wait_indirect_dma semaphore(%dma_wait3A_327 : memref<!tpu.dma_semaphore, #tpu.memory_space<semaphore_mem>>) src(%dma_wait3A_325 : memref<1000000x64xf32, #tpu.memory_space<hbm>>) dst(%arg13 : memref<200x64xf32, #tpu.memory_space<vmem>>)
      %add3A_328 = arith.constant 0 : i32
      %add3A_329 = arith.addi %add3A_180, %add3A_328 : i32
      %dma_start3A_330 = arith.constant 0 : i32
      %dma_start3A_331 = arith.constant 0 : i32
      %dma_start3A_332 = arith.constant 0 : i32
      %dma_start3A_333 = tpu.memref_slice %arg4[%add3A_329, %dma_start3A_331, %dma_start3A_332] : memref<16384x200x128xf32, #tpu.memory_space<hbm>> -> memref<1x200x64xf32, #tpu.memory_space<hbm>>
      %dma_start3A_334 = tpu.memref_squeeze %dma_start3A_333 : memref<1x200x64xf32, #tpu.memory_space<hbm>> -> memref<200x64xf32, #tpu.memory_space<hbm>>
      %dma_start3A_335 = tpu.memref_slice %arg23[%dma_start3A_330] : memref<8x!tpu.dma_semaphore, #tpu.memory_space<semaphore_mem>> -> memref<1x!tpu.dma_semaphore, #tpu.memory_space<semaphore_mem>>
      %dma_start3A_336 = tpu.memref_squeeze %dma_start3A_335 : memref<1x!tpu.dma_semaphore, #tpu.memory_space<semaphore_mem>> -> memref<!tpu.dma_semaphore, #tpu.memory_space<semaphore_mem>>
      %dma_start3A_337 = arith.constant 0 : i32
      %dma_start3A_338 = arith.constant 0 : i32
      %dma_start3A_339 = tpu.memref_slice %arg4[%add3A_329, %dma_start3A_337, %dma_start3A_338] : memref<16384x200x128xf32, #tpu.memory_space<hbm>> -> memref<1x200x64xf32, #tpu.memory_space<hbm>>
      %dma_start3A_340 = tpu.memref_squeeze %dma_start3A_339 : memref<1x200x64xf32, #tpu.memory_space<hbm>> -> memref<200x64xf32, #tpu.memory_space<hbm>>
      tpu.enqueue_dma source(%arg13 : memref<200x64xf32, #tpu.memory_space<vmem>>) target(%dma_start3A_340 : memref<200x64xf32, #tpu.memory_space<hbm>>) target_semaphore(%dma_start3A_336 : memref<!tpu.dma_semaphore, #tpu.memory_space<semaphore_mem>>)
      %add3A_341 = arith.constant 1 : i32
      %add3A_342 = arith.addi %add3A_177, %add3A_341 : i32
      %lt3A = arith.constant 64 : i32
      %lt3A_343 = arith.cmpi slt, %add3A_342, %lt3A : i32
      %convert_element_type3A_344 = arith.extui %lt3A_343 : i1 to i32
      %cond3A_345 = arith.constant 0 : i32
      %cond3A_346 = arith.cmpi ne, %convert_element_type3A_344, %cond3A_345 : i32
      scf.if %cond3A_346 {
        %add3A_529 = arith.constant 0 : i32
        %add3A_530 = arith.addi %add3A_180, %add3A_529 : i32
        %add3A_531 = arith.constant 8 : i32
        %add3A_532 = arith.addi %add3A_530, %add3A_531 : i32
        %mul3A_533 = arith.constant 200 : i32
        %mul3A_534 = arith.muli %add3A_532, %mul3A_533 : i32
        %dma_start3A_535 = arith.constant 0 : i32
        %dma_start3A_536 = tpu.memref_slice %arg2[%mul3A_534] : memref<3276800xi32, #tpu.memory_space<hbm>> -> memref<200xi32, #tpu.memory_space<hbm>>
        %dma_start3A_537 = tpu.memref_slice %arg21[%dma_start3A_535] : memref<8x!tpu.dma_semaphore, #tpu.memory_space<semaphore_mem>> -> memref<1x!tpu.dma_semaphore, #tpu.memory_space<semaphore_mem>>
        %dma_start3A_538 = tpu.memref_squeeze %dma_start3A_537 : memref<1x!tpu.dma_semaphore, #tpu.memory_space<semaphore_mem>> -> memref<!tpu.dma_semaphore, #tpu.memory_space<semaphore_mem>>
        %dma_start3A_539 = tpu.memref_slice %arg2[%mul3A_534] : memref<3276800xi32, #tpu.memory_space<hbm>> -> memref<200xi32, #tpu.memory_space<hbm>>
        tpu.enqueue_dma source(%dma_start3A_539 : memref<200xi32, #tpu.memory_space<hbm>>) target(%arg5 : memref<200xi32, #tpu.memory_space<vmem>>) target_semaphore(%dma_start3A_538 : memref<!tpu.dma_semaphore, #tpu.memory_space<semaphore_mem>>)
      } else {
      }
      %dma_wait3A_347 = arith.constant 1 : i32
      %dma_wait3A_348 = arith.constant 0 : i32
      %dma_wait3A_349 = arith.constant 0 : i32
      %dma_wait3A_350 = tpu.memref_slice %arg3[%dma_wait3A_348, %dma_wait3A_349] : memref<1000000x64xf32, #tpu.memory_space<hbm>> -> memref<1000000x64xf32, #tpu.memory_space<hbm>>
      %dma_wait3A_351 = tpu.memref_slice %arg22[%dma_wait3A_347] : memref<8x!tpu.dma_semaphore, #tpu.memory_space<semaphore_mem>> -> memref<1x!tpu.dma_semaphore, #tpu.memory_space<semaphore_mem>>
      %dma_wait3A_352 = tpu.memref_squeeze %dma_wait3A_351 : memref<1x!tpu.dma_semaphore, #tpu.memory_space<semaphore_mem>> -> memref<!tpu.dma_semaphore, #tpu.memory_space<semaphore_mem>>
      tpu.wait_indirect_dma semaphore(%dma_wait3A_352 : memref<!tpu.dma_semaphore, #tpu.memory_space<semaphore_mem>>) src(%dma_wait3A_350 : memref<1000000x64xf32, #tpu.memory_space<hbm>>) dst(%arg14 : memref<200x64xf32, #tpu.memory_space<vmem>>)
      %add3A_353 = arith.constant 1 : i32
      %add3A_354 = arith.addi %add3A_180, %add3A_353 : i32
      %dma_start3A_355 = arith.constant 1 : i32
      %dma_start3A_356 = arith.constant 0 : i32
      %dma_start3A_357 = arith.constant 0 : i32
      %dma_start3A_358 = tpu.memref_slice %arg4[%add3A_354, %dma_start3A_356, %dma_start3A_357] : memref<16384x200x128xf32, #tpu.memory_space<hbm>> -> memref<1x200x64xf32, #tpu.memory_space<hbm>>
      %dma_start3A_359 = tpu.memref_squeeze %dma_start3A_358 : memref<1x200x64xf32, #tpu.memory_space<hbm>> -> memref<200x64xf32, #tpu.memory_space<hbm>>
      %dma_start3A_360 = tpu.memref_slice %arg23[%dma_start3A_355] : memref<8x!tpu.dma_semaphore, #tpu.memory_space<semaphore_mem>> -> memref<1x!tpu.dma_semaphore, #tpu.memory_space<semaphore_mem>>
      %dma_start3A_361 = tpu.memref_squeeze %dma_start3A_360 : memref<1x!tpu.dma_semaphore, #tpu.memory_space<semaphore_mem>> -> memref<!tpu.dma_semaphore, #tpu.memory_space<semaphore_mem>>
      %dma_start3A_362 = arith.constant 0 : i32
      %dma_start3A_363 = arith.constant 0 : i32
      %dma_start3A_364 = tpu.memref_slice %arg4[%add3A_354, %dma_start3A_362, %dma_start3A_363] : memref<16384x200x128xf32, #tpu.memory_space<hbm>> -> memref<1x200x64xf32, #tpu.memory_space<hbm>>
      %dma_start3A_365 = tpu.memref_squeeze %dma_start3A_364 : memref<1x200x64xf32, #tpu.memory_space<hbm>> -> memref<200x64xf32, #tpu.memory_space<hbm>>
      tpu.enqueue_dma source(%arg14 : memref<200x64xf32, #tpu.memory_space<vmem>>) target(%dma_start3A_365 : memref<200x64xf32, #tpu.memory_space<hbm>>) target_semaphore(%dma_start3A_361 : memref<!tpu.dma_semaphore, #tpu.memory_space<semaphore_mem>>)
      %add3A_366 = arith.constant 1 : i32
      %add3A_367 = arith.addi %add3A_177, %add3A_366 : i32
      %lt3A_368 = arith.constant 64 : i32
      %lt3A_369 = arith.cmpi slt, %add3A_367, %lt3A_368 : i32
      %convert_element_type3A_370 = arith.extui %lt3A_369 : i1 to i32
      %cond3A_371 = arith.constant 0 : i32
      %cond3A_372 = arith.cmpi ne, %convert_element_type3A_370, %cond3A_371 : i32
      scf.if %cond3A_372 {
        %add3A_529 = arith.constant 1 : i32
        %add3A_530 = arith.addi %add3A_180, %add3A_529 : i32
        %add3A_531 = arith.constant 8 : i32
        %add3A_532 = arith.addi %add3A_530, %add3A_531 : i32
        %mul3A_533 = arith.constant 200 : i32
        %mul3A_534 = arith.muli %add3A_532, %mul3A_533 : i32
        %dma_start3A_535 = arith.constant 1 : i32
        %dma_start3A_536 = tpu.memref_slice %arg2[%mul3A_534] : memref<3276800xi32, #tpu.memory_space<hbm>> -> memref<200xi32, #tpu.memory_space<hbm>>
        %dma_start3A_537 = tpu.memref_slice %arg21[%dma_start3A_535] : memref<8x!tpu.dma_semaphore, #tpu.memory_space<semaphore_mem>> -> memref<1x!tpu.dma_semaphore, #tpu.memory_space<semaphore_mem>>
        %dma_start3A_538 = tpu.memref_squeeze %dma_start3A_537 : memref<1x!tpu.dma_semaphore, #tpu.memory_space<semaphore_mem>> -> memref<!tpu.dma_semaphore, #tpu.memory_space<semaphore_mem>>
        %dma_start3A_539 = tpu.memref_slice %arg2[%mul3A_534] : memref<3276800xi32, #tpu.memory_space<hbm>> -> memref<200xi32, #tpu.memory_space<hbm>>
        tpu.enqueue_dma source(%dma_start3A_539 : memref<200xi32, #tpu.memory_space<hbm>>) target(%arg6 : memref<200xi32, #tpu.memory_space<vmem>>) target_semaphore(%dma_start3A_538 : memref<!tpu.dma_semaphore, #tpu.memory_space<semaphore_mem>>)
      } else {
      }
      %dma_wait3A_373 = arith.constant 2 : i32
      %dma_wait3A_374 = arith.constant 0 : i32
      %dma_wait3A_375 = arith.constant 0 : i32
      %dma_wait3A_376 = tpu.memref_slice %arg3[%dma_wait3A_374, %dma_wait3A_375] : memref<1000000x64xf32, #tpu.memory_space<hbm>> -> memref<1000000x64xf32, #tpu.memory_space<hbm>>
      %dma_wait3A_377 = tpu.memref_slice %arg22[%dma_wait3A_373] : memref<8x!tpu.dma_semaphore, #tpu.memory_space<semaphore_mem>> -> memref<1x!tpu.dma_semaphore, #tpu.memory_space<semaphore_mem>>
      %dma_wait3A_378 = tpu.memref_squeeze %dma_wait3A_377 : memref<1x!tpu.dma_semaphore, #tpu.memory_space<semaphore_mem>> -> memref<!tpu.dma_semaphore, #tpu.memory_space<semaphore_mem>>
      tpu.wait_indirect_dma semaphore(%dma_wait3A_378 : memref<!tpu.dma_semaphore, #tpu.memory_space<semaphore_mem>>) src(%dma_wait3A_376 : memref<1000000x64xf32, #tpu.memory_space<hbm>>) dst(%arg15 : memref<200x64xf32, #tpu.memory_space<vmem>>)
      %add3A_379 = arith.constant 2 : i32
      %add3A_380 = arith.addi %add3A_180, %add3A_379 : i32
      %dma_start3A_381 = arith.constant 2 : i32
      %dma_start3A_382 = arith.constant 0 : i32
      %dma_start3A_383 = arith.constant 0 : i32
      %dma_start3A_384 = tpu.memref_slice %arg4[%add3A_380, %dma_start3A_382, %dma_start3A_383] : memref<16384x200x128xf32, #tpu.memory_space<hbm>> -> memref<1x200x64xf32, #tpu.memory_space<hbm>>
      %dma_start3A_385 = tpu.memref_squeeze %dma_start3A_384 : memref<1x200x64xf32, #tpu.memory_space<hbm>> -> memref<200x64xf32, #tpu.memory_space<hbm>>
      %dma_start3A_386 = tpu.memref_slice %arg23[%dma_start3A_381] : memref<8x!tpu.dma_semaphore, #tpu.memory_space<semaphore_mem>> -> memref<1x!tpu.dma_semaphore, #tpu.memory_space<semaphore_mem>>
      %dma_start3A_387 = tpu.memref_squeeze %dma_start3A_386 : memref<1x!tpu.dma_semaphore, #tpu.memory_space<semaphore_mem>> -> memref<!tpu.dma_semaphore, #tpu.memory_space<semaphore_mem>>
      %dma_start3A_388 = arith.constant 0 : i32
      %dma_start3A_389 = arith.constant 0 : i32
      %dma_start3A_390 = tpu.memref_slice %arg4[%add3A_380, %dma_start3A_388, %dma_start3A_389] : memref<16384x200x128xf32, #tpu.memory_space<hbm>> -> memref<1x200x64xf32, #tpu.memory_space<hbm>>
      %dma_start3A_391 = tpu.memref_squeeze %dma_start3A_390 : memref<1x200x64xf32, #tpu.memory_space<hbm>> -> memref<200x64xf32, #tpu.memory_space<hbm>>
      tpu.enqueue_dma source(%arg15 : memref<200x64xf32, #tpu.memory_space<vmem>>) target(%dma_start3A_391 : memref<200x64xf32, #tpu.memory_space<hbm>>) target_semaphore(%dma_start3A_387 : memref<!tpu.dma_semaphore, #tpu.memory_space<semaphore_mem>>)
      %add3A_392 = arith.constant 1 : i32
      %add3A_393 = arith.addi %add3A_177, %add3A_392 : i32
      %lt3A_394 = arith.constant 64 : i32
      %lt3A_395 = arith.cmpi slt, %add3A_393, %lt3A_394 : i32
      %convert_element_type3A_396 = arith.extui %lt3A_395 : i1 to i32
      %cond3A_397 = arith.constant 0 : i32
      %cond3A_398 = arith.cmpi ne, %convert_element_type3A_396, %cond3A_397 : i32
      scf.if %cond3A_398 {
        %add3A_529 = arith.constant 2 : i32
        %add3A_530 = arith.addi %add3A_180, %add3A_529 : i32
        %add3A_531 = arith.constant 8 : i32
        %add3A_532 = arith.addi %add3A_530, %add3A_531 : i32
        %mul3A_533 = arith.constant 200 : i32
        %mul3A_534 = arith.muli %add3A_532, %mul3A_533 : i32
        %dma_start3A_535 = arith.constant 2 : i32
        %dma_start3A_536 = tpu.memref_slice %arg2[%mul3A_534] : memref<3276800xi32, #tpu.memory_space<hbm>> -> memref<200xi32, #tpu.memory_space<hbm>>
        %dma_start3A_537 = tpu.memref_slice %arg21[%dma_start3A_535] : memref<8x!tpu.dma_semaphore, #tpu.memory_space<semaphore_mem>> -> memref<1x!tpu.dma_semaphore, #tpu.memory_space<semaphore_mem>>
        %dma_start3A_538 = tpu.memref_squeeze %dma_start3A_537 : memref<1x!tpu.dma_semaphore, #tpu.memory_space<semaphore_mem>> -> memref<!tpu.dma_semaphore, #tpu.memory_space<semaphore_mem>>
        %dma_start3A_539 = tpu.memref_slice %arg2[%mul3A_534] : memref<3276800xi32, #tpu.memory_space<hbm>> -> memref<200xi32, #tpu.memory_space<hbm>>
        tpu.enqueue_dma source(%dma_start3A_539 : memref<200xi32, #tpu.memory_space<hbm>>) target(%arg7 : memref<200xi32, #tpu.memory_space<vmem>>) target_semaphore(%dma_start3A_538 : memref<!tpu.dma_semaphore, #tpu.memory_space<semaphore_mem>>)
      } else {
      }
      %dma_wait3A_399 = arith.constant 3 : i32
      %dma_wait3A_400 = arith.constant 0 : i32
      %dma_wait3A_401 = arith.constant 0 : i32
      %dma_wait3A_402 = tpu.memref_slice %arg3[%dma_wait3A_400, %dma_wait3A_401] : memref<1000000x64xf32, #tpu.memory_space<hbm>> -> memref<1000000x64xf32, #tpu.memory_space<hbm>>
      %dma_wait3A_403 = tpu.memref_slice %arg22[%dma_wait3A_399] : memref<8x!tpu.dma_semaphore, #tpu.memory_space<semaphore_mem>> -> memref<1x!tpu.dma_semaphore, #tpu.memory_space<semaphore_mem>>
      %dma_wait3A_404 = tpu.memref_squeeze %dma_wait3A_403 : memref<1x!tpu.dma_semaphore, #tpu.memory_space<semaphore_mem>> -> memref<!tpu.dma_semaphore, #tpu.memory_space<semaphore_mem>>
      tpu.wait_indirect_dma semaphore(%dma_wait3A_404 : memref<!tpu.dma_semaphore, #tpu.memory_space<semaphore_mem>>) src(%dma_wait3A_402 : memref<1000000x64xf32, #tpu.memory_space<hbm>>) dst(%arg16 : memref<200x64xf32, #tpu.memory_space<vmem>>)
      %add3A_405 = arith.constant 3 : i32
      %add3A_406 = arith.addi %add3A_180, %add3A_405 : i32
      %dma_start3A_407 = arith.constant 3 : i32
      %dma_start3A_408 = arith.constant 0 : i32
      %dma_start3A_409 = arith.constant 0 : i32
      %dma_start3A_410 = tpu.memref_slice %arg4[%add3A_406, %dma_start3A_408, %dma_start3A_409] : memref<16384x200x128xf32, #tpu.memory_space<hbm>> -> memref<1x200x64xf32, #tpu.memory_space<hbm>>
      %dma_start3A_411 = tpu.memref_squeeze %dma_start3A_410 : memref<1x200x64xf32, #tpu.memory_space<hbm>> -> memref<200x64xf32, #tpu.memory_space<hbm>>
      %dma_start3A_412 = tpu.memref_slice %arg23[%dma_start3A_407] : memref<8x!tpu.dma_semaphore, #tpu.memory_space<semaphore_mem>> -> memref<1x!tpu.dma_semaphore, #tpu.memory_space<semaphore_mem>>
      %dma_start3A_413 = tpu.memref_squeeze %dma_start3A_412 : memref<1x!tpu.dma_semaphore, #tpu.memory_space<semaphore_mem>> -> memref<!tpu.dma_semaphore, #tpu.memory_space<semaphore_mem>>
      %dma_start3A_414 = arith.constant 0 : i32
      %dma_start3A_415 = arith.constant 0 : i32
      %dma_start3A_416 = tpu.memref_slice %arg4[%add3A_406, %dma_start3A_414, %dma_start3A_415] : memref<16384x200x128xf32, #tpu.memory_space<hbm>> -> memref<1x200x64xf32, #tpu.memory_space<hbm>>
      %dma_start3A_417 = tpu.memref_squeeze %dma_start3A_416 : memref<1x200x64xf32, #tpu.memory_space<hbm>> -> memref<200x64xf32, #tpu.memory_space<hbm>>
      tpu.enqueue_dma source(%arg16 : memref<200x64xf32, #tpu.memory_space<vmem>>) target(%dma_start3A_417 : memref<200x64xf32, #tpu.memory_space<hbm>>) target_semaphore(%dma_start3A_413 : memref<!tpu.dma_semaphore, #tpu.memory_space<semaphore_mem>>)
      %add3A_418 = arith.constant 1 : i32
      %add3A_419 = arith.addi %add3A_177, %add3A_418 : i32
      %lt3A_420 = arith.constant 64 : i32
      %lt3A_421 = arith.cmpi slt, %add3A_419, %lt3A_420 : i32
      %convert_element_type3A_422 = arith.extui %lt3A_421 : i1 to i32
      %cond3A_423 = arith.constant 0 : i32
      %cond3A_424 = arith.cmpi ne, %convert_element_type3A_422, %cond3A_423 : i32
      scf.if %cond3A_424 {
        %add3A_529 = arith.constant 3 : i32
        %add3A_530 = arith.addi %add3A_180, %add3A_529 : i32
        %add3A_531 = arith.constant 8 : i32
        %add3A_532 = arith.addi %add3A_530, %add3A_531 : i32
        %mul3A_533 = arith.constant 200 : i32
        %mul3A_534 = arith.muli %add3A_532, %mul3A_533 : i32
        %dma_start3A_535 = arith.constant 3 : i32
        %dma_start3A_536 = tpu.memref_slice %arg2[%mul3A_534] : memref<3276800xi32, #tpu.memory_space<hbm>> -> memref<200xi32, #tpu.memory_space<hbm>>
        %dma_start3A_537 = tpu.memref_slice %arg21[%dma_start3A_535] : memref<8x!tpu.dma_semaphore, #tpu.memory_space<semaphore_mem>> -> memref<1x!tpu.dma_semaphore, #tpu.memory_space<semaphore_mem>>
        %dma_start3A_538 = tpu.memref_squeeze %dma_start3A_537 : memref<1x!tpu.dma_semaphore, #tpu.memory_space<semaphore_mem>> -> memref<!tpu.dma_semaphore, #tpu.memory_space<semaphore_mem>>
        %dma_start3A_539 = tpu.memref_slice %arg2[%mul3A_534] : memref<3276800xi32, #tpu.memory_space<hbm>> -> memref<200xi32, #tpu.memory_space<hbm>>
        tpu.enqueue_dma source(%dma_start3A_539 : memref<200xi32, #tpu.memory_space<hbm>>) target(%arg8 : memref<200xi32, #tpu.memory_space<vmem>>) target_semaphore(%dma_start3A_538 : memref<!tpu.dma_semaphore, #tpu.memory_space<semaphore_mem>>)
      } else {
      }
      %dma_wait3A_425 = arith.constant 4 : i32
      %dma_wait3A_426 = arith.constant 0 : i32
      %dma_wait3A_427 = arith.constant 0 : i32
      %dma_wait3A_428 = tpu.memref_slice %arg3[%dma_wait3A_426, %dma_wait3A_427] : memref<1000000x64xf32, #tpu.memory_space<hbm>> -> memref<1000000x64xf32, #tpu.memory_space<hbm>>
      %dma_wait3A_429 = tpu.memref_slice %arg22[%dma_wait3A_425] : memref<8x!tpu.dma_semaphore, #tpu.memory_space<semaphore_mem>> -> memref<1x!tpu.dma_semaphore, #tpu.memory_space<semaphore_mem>>
      %dma_wait3A_430 = tpu.memref_squeeze %dma_wait3A_429 : memref<1x!tpu.dma_semaphore, #tpu.memory_space<semaphore_mem>> -> memref<!tpu.dma_semaphore, #tpu.memory_space<semaphore_mem>>
      tpu.wait_indirect_dma semaphore(%dma_wait3A_430 : memref<!tpu.dma_semaphore, #tpu.memory_space<semaphore_mem>>) src(%dma_wait3A_428 : memref<1000000x64xf32, #tpu.memory_space<hbm>>) dst(%arg17 : memref<200x64xf32, #tpu.memory_space<vmem>>)
      %add3A_431 = arith.constant 4 : i32
      %add3A_432 = arith.addi %add3A_180, %add3A_431 : i32
      %dma_start3A_433 = arith.constant 4 : i32
      %dma_start3A_434 = arith.constant 0 : i32
      %dma_start3A_435 = arith.constant 0 : i32
      %dma_start3A_436 = tpu.memref_slice %arg4[%add3A_432, %dma_start3A_434, %dma_start3A_435] : memref<16384x200x128xf32, #tpu.memory_space<hbm>> -> memref<1x200x64xf32, #tpu.memory_space<hbm>>
      %dma_start3A_437 = tpu.memref_squeeze %dma_start3A_436 : memref<1x200x64xf32, #tpu.memory_space<hbm>> -> memref<200x64xf32, #tpu.memory_space<hbm>>
      %dma_start3A_438 = tpu.memref_slice %arg23[%dma_start3A_433] : memref<8x!tpu.dma_semaphore, #tpu.memory_space<semaphore_mem>> -> memref<1x!tpu.dma_semaphore, #tpu.memory_space<semaphore_mem>>
      %dma_start3A_439 = tpu.memref_squeeze %dma_start3A_438 : memref<1x!tpu.dma_semaphore, #tpu.memory_space<semaphore_mem>> -> memref<!tpu.dma_semaphore, #tpu.memory_space<semaphore_mem>>
      %dma_start3A_440 = arith.constant 0 : i32
      %dma_start3A_441 = arith.constant 0 : i32
      %dma_start3A_442 = tpu.memref_slice %arg4[%add3A_432, %dma_start3A_440, %dma_start3A_441] : memref<16384x200x128xf32, #tpu.memory_space<hbm>> -> memref<1x200x64xf32, #tpu.memory_space<hbm>>
      %dma_start3A_443 = tpu.memref_squeeze %dma_start3A_442 : memref<1x200x64xf32, #tpu.memory_space<hbm>> -> memref<200x64xf32, #tpu.memory_space<hbm>>
      tpu.enqueue_dma source(%arg17 : memref<200x64xf32, #tpu.memory_space<vmem>>) target(%dma_start3A_443 : memref<200x64xf32, #tpu.memory_space<hbm>>) target_semaphore(%dma_start3A_439 : memref<!tpu.dma_semaphore, #tpu.memory_space<semaphore_mem>>)
      %add3A_444 = arith.constant 1 : i32
      %add3A_445 = arith.addi %add3A_177, %add3A_444 : i32
      %lt3A_446 = arith.constant 64 : i32
      %lt3A_447 = arith.cmpi slt, %add3A_445, %lt3A_446 : i32
      %convert_element_type3A_448 = arith.extui %lt3A_447 : i1 to i32
      %cond3A_449 = arith.constant 0 : i32
      %cond3A_450 = arith.cmpi ne, %convert_element_type3A_448, %cond3A_449 : i32
      scf.if %cond3A_450 {
        %add3A_529 = arith.constant 4 : i32
        %add3A_530 = arith.addi %add3A_180, %add3A_529 : i32
        %add3A_531 = arith.constant 8 : i32
        %add3A_532 = arith.addi %add3A_530, %add3A_531 : i32
        %mul3A_533 = arith.constant 200 : i32
        %mul3A_534 = arith.muli %add3A_532, %mul3A_533 : i32
        %dma_start3A_535 = arith.constant 4 : i32
        %dma_start3A_536 = tpu.memref_slice %arg2[%mul3A_534] : memref<3276800xi32, #tpu.memory_space<hbm>> -> memref<200xi32, #tpu.memory_space<hbm>>
        %dma_start3A_537 = tpu.memref_slice %arg21[%dma_start3A_535] : memref<8x!tpu.dma_semaphore, #tpu.memory_space<semaphore_mem>> -> memref<1x!tpu.dma_semaphore, #tpu.memory_space<semaphore_mem>>
        %dma_start3A_538 = tpu.memref_squeeze %dma_start3A_537 : memref<1x!tpu.dma_semaphore, #tpu.memory_space<semaphore_mem>> -> memref<!tpu.dma_semaphore, #tpu.memory_space<semaphore_mem>>
        %dma_start3A_539 = tpu.memref_slice %arg2[%mul3A_534] : memref<3276800xi32, #tpu.memory_space<hbm>> -> memref<200xi32, #tpu.memory_space<hbm>>
        tpu.enqueue_dma source(%dma_start3A_539 : memref<200xi32, #tpu.memory_space<hbm>>) target(%arg9 : memref<200xi32, #tpu.memory_space<vmem>>) target_semaphore(%dma_start3A_538 : memref<!tpu.dma_semaphore, #tpu.memory_space<semaphore_mem>>)
      } else {
      }
      %dma_wait3A_451 = arith.constant 5 : i32
      %dma_wait3A_452 = arith.constant 0 : i32
      %dma_wait3A_453 = arith.constant 0 : i32
      %dma_wait3A_454 = tpu.memref_slice %arg3[%dma_wait3A_452, %dma_wait3A_453] : memref<1000000x64xf32, #tpu.memory_space<hbm>> -> memref<1000000x64xf32, #tpu.memory_space<hbm>>
      %dma_wait3A_455 = tpu.memref_slice %arg22[%dma_wait3A_451] : memref<8x!tpu.dma_semaphore, #tpu.memory_space<semaphore_mem>> -> memref<1x!tpu.dma_semaphore, #tpu.memory_space<semaphore_mem>>
      %dma_wait3A_456 = tpu.memref_squeeze %dma_wait3A_455 : memref<1x!tpu.dma_semaphore, #tpu.memory_space<semaphore_mem>> -> memref<!tpu.dma_semaphore, #tpu.memory_space<semaphore_mem>>
      tpu.wait_indirect_dma semaphore(%dma_wait3A_456 : memref<!tpu.dma_semaphore, #tpu.memory_space<semaphore_mem>>) src(%dma_wait3A_454 : memref<1000000x64xf32, #tpu.memory_space<hbm>>) dst(%arg18 : memref<200x64xf32, #tpu.memory_space<vmem>>)
      %add3A_457 = arith.constant 5 : i32
      %add3A_458 = arith.addi %add3A_180, %add3A_457 : i32
      %dma_start3A_459 = arith.constant 5 : i32
      %dma_start3A_460 = arith.constant 0 : i32
      %dma_start3A_461 = arith.constant 0 : i32
      %dma_start3A_462 = tpu.memref_slice %arg4[%add3A_458, %dma_start3A_460, %dma_start3A_461] : memref<16384x200x128xf32, #tpu.memory_space<hbm>> -> memref<1x200x64xf32, #tpu.memory_space<hbm>>
      %dma_start3A_463 = tpu.memref_squeeze %dma_start3A_462 : memref<1x200x64xf32, #tpu.memory_space<hbm>> -> memref<200x64xf32, #tpu.memory_space<hbm>>
      %dma_start3A_464 = tpu.memref_slice %arg23[%dma_start3A_459] : memref<8x!tpu.dma_semaphore, #tpu.memory_space<semaphore_mem>> -> memref<1x!tpu.dma_semaphore, #tpu.memory_space<semaphore_mem>>
      %dma_start3A_465 = tpu.memref_squeeze %dma_start3A_464 : memref<1x!tpu.dma_semaphore, #tpu.memory_space<semaphore_mem>> -> memref<!tpu.dma_semaphore, #tpu.memory_space<semaphore_mem>>
      %dma_start3A_466 = arith.constant 0 : i32
      %dma_start3A_467 = arith.constant 0 : i32
      %dma_start3A_468 = tpu.memref_slice %arg4[%add3A_458, %dma_start3A_466, %dma_start3A_467] : memref<16384x200x128xf32, #tpu.memory_space<hbm>> -> memref<1x200x64xf32, #tpu.memory_space<hbm>>
      %dma_start3A_469 = tpu.memref_squeeze %dma_start3A_468 : memref<1x200x64xf32, #tpu.memory_space<hbm>> -> memref<200x64xf32, #tpu.memory_space<hbm>>
      tpu.enqueue_dma source(%arg18 : memref<200x64xf32, #tpu.memory_space<vmem>>) target(%dma_start3A_469 : memref<200x64xf32, #tpu.memory_space<hbm>>) target_semaphore(%dma_start3A_465 : memref<!tpu.dma_semaphore, #tpu.memory_space<semaphore_mem>>)
      %add3A_470 = arith.constant 1 : i32
      %add3A_471 = arith.addi %add3A_177, %add3A_470 : i32
      %lt3A_472 = arith.constant 64 : i32
      %lt3A_473 = arith.cmpi slt, %add3A_471, %lt3A_472 : i32
      %convert_element_type3A_474 = arith.extui %lt3A_473 : i1 to i32
      %cond3A_475 = arith.constant 0 : i32
      %cond3A_476 = arith.cmpi ne, %convert_element_type3A_474, %cond3A_475 : i32
      scf.if %cond3A_476 {
        %add3A_529 = arith.constant 5 : i32
        %add3A_530 = arith.addi %add3A_180, %add3A_529 : i32
        %add3A_531 = arith.constant 8 : i32
        %add3A_532 = arith.addi %add3A_530, %add3A_531 : i32
        %mul3A_533 = arith.constant 200 : i32
        %mul3A_534 = arith.muli %add3A_532, %mul3A_533 : i32
        %dma_start3A_535 = arith.constant 5 : i32
        %dma_start3A_536 = tpu.memref_slice %arg2[%mul3A_534] : memref<3276800xi32, #tpu.memory_space<hbm>> -> memref<200xi32, #tpu.memory_space<hbm>>
        %dma_start3A_537 = tpu.memref_slice %arg21[%dma_start3A_535] : memref<8x!tpu.dma_semaphore, #tpu.memory_space<semaphore_mem>> -> memref<1x!tpu.dma_semaphore, #tpu.memory_space<semaphore_mem>>
        %dma_start3A_538 = tpu.memref_squeeze %dma_start3A_537 : memref<1x!tpu.dma_semaphore, #tpu.memory_space<semaphore_mem>> -> memref<!tpu.dma_semaphore, #tpu.memory_space<semaphore_mem>>
        %dma_start3A_539 = tpu.memref_slice %arg2[%mul3A_534] : memref<3276800xi32, #tpu.memory_space<hbm>> -> memref<200xi32, #tpu.memory_space<hbm>>
        tpu.enqueue_dma source(%dma_start3A_539 : memref<200xi32, #tpu.memory_space<hbm>>) target(%arg10 : memref<200xi32, #tpu.memory_space<vmem>>) target_semaphore(%dma_start3A_538 : memref<!tpu.dma_semaphore, #tpu.memory_space<semaphore_mem>>)
      } else {
      }
      %dma_wait3A_477 = arith.constant 6 : i32
      %dma_wait3A_478 = arith.constant 0 : i32
      %dma_wait3A_479 = arith.constant 0 : i32
      %dma_wait3A_480 = tpu.memref_slice %arg3[%dma_wait3A_478, %dma_wait3A_479] : memref<1000000x64xf32, #tpu.memory_space<hbm>> -> memref<1000000x64xf32, #tpu.memory_space<hbm>>
      %dma_wait3A_481 = tpu.memref_slice %arg22[%dma_wait3A_477] : memref<8x!tpu.dma_semaphore, #tpu.memory_space<semaphore_mem>> -> memref<1x!tpu.dma_semaphore, #tpu.memory_space<semaphore_mem>>
      %dma_wait3A_482 = tpu.memref_squeeze %dma_wait3A_481 : memref<1x!tpu.dma_semaphore, #tpu.memory_space<semaphore_mem>> -> memref<!tpu.dma_semaphore, #tpu.memory_space<semaphore_mem>>
      tpu.wait_indirect_dma semaphore(%dma_wait3A_482 : memref<!tpu.dma_semaphore, #tpu.memory_space<semaphore_mem>>) src(%dma_wait3A_480 : memref<1000000x64xf32, #tpu.memory_space<hbm>>) dst(%arg19 : memref<200x64xf32, #tpu.memory_space<vmem>>)
      %add3A_483 = arith.constant 6 : i32
      %add3A_484 = arith.addi %add3A_180, %add3A_483 : i32
      %dma_start3A_485 = arith.constant 6 : i32
      %dma_start3A_486 = arith.constant 0 : i32
      %dma_start3A_487 = arith.constant 0 : i32
      %dma_start3A_488 = tpu.memref_slice %arg4[%add3A_484, %dma_start3A_486, %dma_start3A_487] : memref<16384x200x128xf32, #tpu.memory_space<hbm>> -> memref<1x200x64xf32, #tpu.memory_space<hbm>>
      %dma_start3A_489 = tpu.memref_squeeze %dma_start3A_488 : memref<1x200x64xf32, #tpu.memory_space<hbm>> -> memref<200x64xf32, #tpu.memory_space<hbm>>
      %dma_start3A_490 = tpu.memref_slice %arg23[%dma_start3A_485] : memref<8x!tpu.dma_semaphore, #tpu.memory_space<semaphore_mem>> -> memref<1x!tpu.dma_semaphore, #tpu.memory_space<semaphore_mem>>
      %dma_start3A_491 = tpu.memref_squeeze %dma_start3A_490 : memref<1x!tpu.dma_semaphore, #tpu.memory_space<semaphore_mem>> -> memref<!tpu.dma_semaphore, #tpu.memory_space<semaphore_mem>>
      %dma_start3A_492 = arith.constant 0 : i32
      %dma_start3A_493 = arith.constant 0 : i32
      %dma_start3A_494 = tpu.memref_slice %arg4[%add3A_484, %dma_start3A_492, %dma_start3A_493] : memref<16384x200x128xf32, #tpu.memory_space<hbm>> -> memref<1x200x64xf32, #tpu.memory_space<hbm>>
      %dma_start3A_495 = tpu.memref_squeeze %dma_start3A_494 : memref<1x200x64xf32, #tpu.memory_space<hbm>> -> memref<200x64xf32, #tpu.memory_space<hbm>>
      tpu.enqueue_dma source(%arg19 : memref<200x64xf32, #tpu.memory_space<vmem>>) target(%dma_start3A_495 : memref<200x64xf32, #tpu.memory_space<hbm>>) target_semaphore(%dma_start3A_491 : memref<!tpu.dma_semaphore, #tpu.memory_space<semaphore_mem>>)
      %add3A_496 = arith.constant 1 : i32
      %add3A_497 = arith.addi %add3A_177, %add3A_496 : i32
      %lt3A_498 = arith.constant 64 : i32
      %lt3A_499 = arith.cmpi slt, %add3A_497, %lt3A_498 : i32
      %convert_element_type3A_500 = arith.extui %lt3A_499 : i1 to i32
      %cond3A_501 = arith.constant 0 : i32
      %cond3A_502 = arith.cmpi ne, %convert_element_type3A_500, %cond3A_501 : i32
      scf.if %cond3A_502 {
        %add3A_529 = arith.constant 6 : i32
        %add3A_530 = arith.addi %add3A_180, %add3A_529 : i32
        %add3A_531 = arith.constant 8 : i32
        %add3A_532 = arith.addi %add3A_530, %add3A_531 : i32
        %mul3A_533 = arith.constant 200 : i32
        %mul3A_534 = arith.muli %add3A_532, %mul3A_533 : i32
        %dma_start3A_535 = arith.constant 6 : i32
        %dma_start3A_536 = tpu.memref_slice %arg2[%mul3A_534] : memref<3276800xi32, #tpu.memory_space<hbm>> -> memref<200xi32, #tpu.memory_space<hbm>>
        %dma_start3A_537 = tpu.memref_slice %arg21[%dma_start3A_535] : memref<8x!tpu.dma_semaphore, #tpu.memory_space<semaphore_mem>> -> memref<1x!tpu.dma_semaphore, #tpu.memory_space<semaphore_mem>>
        %dma_start3A_538 = tpu.memref_squeeze %dma_start3A_537 : memref<1x!tpu.dma_semaphore, #tpu.memory_space<semaphore_mem>> -> memref<!tpu.dma_semaphore, #tpu.memory_space<semaphore_mem>>
        %dma_start3A_539 = tpu.memref_slice %arg2[%mul3A_534] : memref<3276800xi32, #tpu.memory_space<hbm>> -> memref<200xi32, #tpu.memory_space<hbm>>
        tpu.enqueue_dma source(%dma_start3A_539 : memref<200xi32, #tpu.memory_space<hbm>>) target(%arg11 : memref<200xi32, #tpu.memory_space<vmem>>) target_semaphore(%dma_start3A_538 : memref<!tpu.dma_semaphore, #tpu.memory_space<semaphore_mem>>)
      } else {
      }
      %dma_wait3A_503 = arith.constant 7 : i32
      %dma_wait3A_504 = arith.constant 0 : i32
      %dma_wait3A_505 = arith.constant 0 : i32
      %dma_wait3A_506 = tpu.memref_slice %arg3[%dma_wait3A_504, %dma_wait3A_505] : memref<1000000x64xf32, #tpu.memory_space<hbm>> -> memref<1000000x64xf32, #tpu.memory_space<hbm>>
      %dma_wait3A_507 = tpu.memref_slice %arg22[%dma_wait3A_503] : memref<8x!tpu.dma_semaphore, #tpu.memory_space<semaphore_mem>> -> memref<1x!tpu.dma_semaphore, #tpu.memory_space<semaphore_mem>>
      %dma_wait3A_508 = tpu.memref_squeeze %dma_wait3A_507 : memref<1x!tpu.dma_semaphore, #tpu.memory_space<semaphore_mem>> -> memref<!tpu.dma_semaphore, #tpu.memory_space<semaphore_mem>>
      tpu.wait_indirect_dma semaphore(%dma_wait3A_508 : memref<!tpu.dma_semaphore, #tpu.memory_space<semaphore_mem>>) src(%dma_wait3A_506 : memref<1000000x64xf32, #tpu.memory_space<hbm>>) dst(%arg20 : memref<200x64xf32, #tpu.memory_space<vmem>>)
      %add3A_509 = arith.constant 7 : i32
      %add3A_510 = arith.addi %add3A_180, %add3A_509 : i32
      %dma_start3A_511 = arith.constant 7 : i32
      %dma_start3A_512 = arith.constant 0 : i32
      %dma_start3A_513 = arith.constant 0 : i32
      %dma_start3A_514 = tpu.memref_slice %arg4[%add3A_510, %dma_start3A_512, %dma_start3A_513] : memref<16384x200x128xf32, #tpu.memory_space<hbm>> -> memref<1x200x64xf32, #tpu.memory_space<hbm>>
      %dma_start3A_515 = tpu.memref_squeeze %dma_start3A_514 : memref<1x200x64xf32, #tpu.memory_space<hbm>> -> memref<200x64xf32, #tpu.memory_space<hbm>>
      %dma_start3A_516 = tpu.memref_slice %arg23[%dma_start3A_511] : memref<8x!tpu.dma_semaphore, #tpu.memory_space<semaphore_mem>> -> memref<1x!tpu.dma_semaphore, #tpu.memory_space<semaphore_mem>>
      %dma_start3A_517 = tpu.memref_squeeze %dma_start3A_516 : memref<1x!tpu.dma_semaphore, #tpu.memory_space<semaphore_mem>> -> memref<!tpu.dma_semaphore, #tpu.memory_space<semaphore_mem>>
      %dma_start3A_518 = arith.constant 0 : i32
      %dma_start3A_519 = arith.constant 0 : i32
      %dma_start3A_520 = tpu.memref_slice %arg4[%add3A_510, %dma_start3A_518, %dma_start3A_519] : memref<16384x200x128xf32, #tpu.memory_space<hbm>> -> memref<1x200x64xf32, #tpu.memory_space<hbm>>
      %dma_start3A_521 = tpu.memref_squeeze %dma_start3A_520 : memref<1x200x64xf32, #tpu.memory_space<hbm>> -> memref<200x64xf32, #tpu.memory_space<hbm>>
      tpu.enqueue_dma source(%arg20 : memref<200x64xf32, #tpu.memory_space<vmem>>) target(%dma_start3A_521 : memref<200x64xf32, #tpu.memory_space<hbm>>) target_semaphore(%dma_start3A_517 : memref<!tpu.dma_semaphore, #tpu.memory_space<semaphore_mem>>)
      %add3A_522 = arith.constant 1 : i32
      %add3A_523 = arith.addi %add3A_177, %add3A_522 : i32
      %lt3A_524 = arith.constant 64 : i32
      %lt3A_525 = arith.cmpi slt, %add3A_523, %lt3A_524 : i32
      %convert_element_type3A_526 = arith.extui %lt3A_525 : i1 to i32
      %cond3A_527 = arith.constant 0 : i32
      %cond3A_528 = arith.cmpi ne, %convert_element_type3A_526, %cond3A_527 : i32
      scf.if %cond3A_528 {
        %add3A_529 = arith.constant 7 : i32
        %add3A_530 = arith.addi %add3A_180, %add3A_529 : i32
        %add3A_531 = arith.constant 8 : i32
        %add3A_532 = arith.addi %add3A_530, %add3A_531 : i32
        %mul3A_533 = arith.constant 200 : i32
        %mul3A_534 = arith.muli %add3A_532, %mul3A_533 : i32
        %dma_start3A_535 = arith.constant 7 : i32
        %dma_start3A_536 = tpu.memref_slice %arg2[%mul3A_534] : memref<3276800xi32, #tpu.memory_space<hbm>> -> memref<200xi32, #tpu.memory_space<hbm>>
        %dma_start3A_537 = tpu.memref_slice %arg21[%dma_start3A_535] : memref<8x!tpu.dma_semaphore, #tpu.memory_space<semaphore_mem>> -> memref<1x!tpu.dma_semaphore, #tpu.memory_space<semaphore_mem>>
        %dma_start3A_538 = tpu.memref_squeeze %dma_start3A_537 : memref<1x!tpu.dma_semaphore, #tpu.memory_space<semaphore_mem>> -> memref<!tpu.dma_semaphore, #tpu.memory_space<semaphore_mem>>
        %dma_start3A_539 = tpu.memref_slice %arg2[%mul3A_534] : memref<3276800xi32, #tpu.memory_space<hbm>> -> memref<200xi32, #tpu.memory_space<hbm>>
        tpu.enqueue_dma source(%dma_start3A_539 : memref<200xi32, #tpu.memory_space<hbm>>) target(%arg12 : memref<200xi32, #tpu.memory_space<vmem>>) target_semaphore(%dma_start3A_538 : memref<!tpu.dma_semaphore, #tpu.memory_space<semaphore_mem>>)
      } else {
      }
    }
    %scan3A_77 = arith.constant 64 : i32
    %dma_wait3A = arith.constant 0 : i32
    %dma_wait3A_78 = arith.constant 0 : i32
    %dma_wait3A_79 = arith.constant 0 : i32
    %dma_wait3A_80 = arith.constant 0 : i32
    %dma_wait3A_81 = tpu.memref_slice %arg4[%dma_wait3A, %dma_wait3A_79, %dma_wait3A_80] : memref<16384x200x128xf32, #tpu.memory_space<hbm>> -> memref<1x200x64xf32, #tpu.memory_space<hbm>>
    %dma_wait3A_82 = tpu.memref_squeeze %dma_wait3A_81 : memref<1x200x64xf32, #tpu.memory_space<hbm>> -> memref<200x64xf32, #tpu.memory_space<hbm>>
    %dma_wait3A_83 = tpu.memref_slice %arg23[%dma_wait3A_78] : memref<8x!tpu.dma_semaphore, #tpu.memory_space<semaphore_mem>> -> memref<1x!tpu.dma_semaphore, #tpu.memory_space<semaphore_mem>>
    %dma_wait3A_84 = tpu.memref_squeeze %dma_wait3A_83 : memref<1x!tpu.dma_semaphore, #tpu.memory_space<semaphore_mem>> -> memref<!tpu.dma_semaphore, #tpu.memory_space<semaphore_mem>>
    %dma_wait3A_85 = arith.constant 0 : i32
    %dma_wait3A_86 = arith.constant 0 : i32
    %dma_wait3A_87 = tpu.memref_slice %arg4[%dma_wait3A, %dma_wait3A_85, %dma_wait3A_86] : memref<16384x200x128xf32, #tpu.memory_space<hbm>> -> memref<1x200x64xf32, #tpu.memory_space<hbm>>
    %dma_wait3A_88 = tpu.memref_squeeze %dma_wait3A_87 : memref<1x200x64xf32, #tpu.memory_space<hbm>> -> memref<200x64xf32, #tpu.memory_space<hbm>>
    tpu.wait_dma2 semaphore(%dma_wait3A_84 : memref<!tpu.dma_semaphore, #tpu.memory_space<semaphore_mem>>) src(%arg13 : memref<200x64xf32, #tpu.memory_space<vmem>>) dst(%dma_wait3A_88 : memref<200x64xf32, #tpu.memory_space<hbm>>)
    %dma_wait3A_89 = arith.constant 0 : i32
    %dma_wait3A_90 = arith.constant 1 : i32
    %dma_wait3A_91 = arith.constant 0 : i32
    %dma_wait3A_92 = arith.constant 0 : i32
    %dma_wait3A_93 = tpu.memref_slice %arg4[%dma_wait3A_89, %dma_wait3A_91, %dma_wait3A_92] : memref<16384x200x128xf32, #tpu.memory_space<hbm>> -> memref<1x200x64xf32, #tpu.memory_space<hbm>>
    %dma_wait3A_94 = tpu.memref_squeeze %dma_wait3A_93 : memref<1x200x64xf32, #tpu.memory_space<hbm>> -> memref<200x64xf32, #tpu.memory_space<hbm>>
    %dma_wait3A_95 = tpu.memref_slice %arg23[%dma_wait3A_90] : memref<8x!tpu.dma_semaphore, #tpu.memory_space<semaphore_mem>> -> memref<1x!tpu.dma_semaphore, #tpu.memory_space<semaphore_mem>>
    %dma_wait3A_96 = tpu.memref_squeeze %dma_wait3A_95 : memref<1x!tpu.dma_semaphore, #tpu.memory_space<semaphore_mem>> -> memref<!tpu.dma_semaphore, #tpu.memory_space<semaphore_mem>>
    %dma_wait3A_97 = arith.constant 0 : i32
    %dma_wait3A_98 = arith.constant 0 : i32
    %dma_wait3A_99 = tpu.memref_slice %arg4[%dma_wait3A_89, %dma_wait3A_97, %dma_wait3A_98] : memref<16384x200x128xf32, #tpu.memory_space<hbm>> -> memref<1x200x64xf32, #tpu.memory_space<hbm>>
    %dma_wait3A_100 = tpu.memref_squeeze %dma_wait3A_99 : memref<1x200x64xf32, #tpu.memory_space<hbm>> -> memref<200x64xf32, #tpu.memory_space<hbm>>
    tpu.wait_dma2 semaphore(%dma_wait3A_96 : memref<!tpu.dma_semaphore, #tpu.memory_space<semaphore_mem>>) src(%arg14 : memref<200x64xf32, #tpu.memory_space<vmem>>) dst(%dma_wait3A_100 : memref<200x64xf32, #tpu.memory_space<hbm>>)
    %dma_wait3A_101 = arith.constant 0 : i32
    %dma_wait3A_102 = arith.constant 2 : i32
    %dma_wait3A_103 = arith.constant 0 : i32
    %dma_wait3A_104 = arith.constant 0 : i32
    %dma_wait3A_105 = tpu.memref_slice %arg4[%dma_wait3A_101, %dma_wait3A_103, %dma_wait3A_104] : memref<16384x200x128xf32, #tpu.memory_space<hbm>> -> memref<1x200x64xf32, #tpu.memory_space<hbm>>
    %dma_wait3A_106 = tpu.memref_squeeze %dma_wait3A_105 : memref<1x200x64xf32, #tpu.memory_space<hbm>> -> memref<200x64xf32, #tpu.memory_space<hbm>>
    %dma_wait3A_107 = tpu.memref_slice %arg23[%dma_wait3A_102] : memref<8x!tpu.dma_semaphore, #tpu.memory_space<semaphore_mem>> -> memref<1x!tpu.dma_semaphore, #tpu.memory_space<semaphore_mem>>
    %dma_wait3A_108 = tpu.memref_squeeze %dma_wait3A_107 : memref<1x!tpu.dma_semaphore, #tpu.memory_space<semaphore_mem>> -> memref<!tpu.dma_semaphore, #tpu.memory_space<semaphore_mem>>
    %dma_wait3A_109 = arith.constant 0 : i32
    %dma_wait3A_110 = arith.constant 0 : i32
    %dma_wait3A_111 = tpu.memref_slice %arg4[%dma_wait3A_101, %dma_wait3A_109, %dma_wait3A_110] : memref<16384x200x128xf32, #tpu.memory_space<hbm>> -> memref<1x200x64xf32, #tpu.memory_space<hbm>>
    %dma_wait3A_112 = tpu.memref_squeeze %dma_wait3A_111 : memref<1x200x64xf32, #tpu.memory_space<hbm>> -> memref<200x64xf32, #tpu.memory_space<hbm>>
    tpu.wait_dma2 semaphore(%dma_wait3A_108 : memref<!tpu.dma_semaphore, #tpu.memory_space<semaphore_mem>>) src(%arg15 : memref<200x64xf32, #tpu.memory_space<vmem>>) dst(%dma_wait3A_112 : memref<200x64xf32, #tpu.memory_space<hbm>>)
    %dma_wait3A_113 = arith.constant 0 : i32
    %dma_wait3A_114 = arith.constant 3 : i32
    %dma_wait3A_115 = arith.constant 0 : i32
    %dma_wait3A_116 = arith.constant 0 : i32
    %dma_wait3A_117 = tpu.memref_slice %arg4[%dma_wait3A_113, %dma_wait3A_115, %dma_wait3A_116] : memref<16384x200x128xf32, #tpu.memory_space<hbm>> -> memref<1x200x64xf32, #tpu.memory_space<hbm>>
    %dma_wait3A_118 = tpu.memref_squeeze %dma_wait3A_117 : memref<1x200x64xf32, #tpu.memory_space<hbm>> -> memref<200x64xf32, #tpu.memory_space<hbm>>
    %dma_wait3A_119 = tpu.memref_slice %arg23[%dma_wait3A_114] : memref<8x!tpu.dma_semaphore, #tpu.memory_space<semaphore_mem>> -> memref<1x!tpu.dma_semaphore, #tpu.memory_space<semaphore_mem>>
    %dma_wait3A_120 = tpu.memref_squeeze %dma_wait3A_119 : memref<1x!tpu.dma_semaphore, #tpu.memory_space<semaphore_mem>> -> memref<!tpu.dma_semaphore, #tpu.memory_space<semaphore_mem>>
    %dma_wait3A_121 = arith.constant 0 : i32
    %dma_wait3A_122 = arith.constant 0 : i32
    %dma_wait3A_123 = tpu.memref_slice %arg4[%dma_wait3A_113, %dma_wait3A_121, %dma_wait3A_122] : memref<16384x200x128xf32, #tpu.memory_space<hbm>> -> memref<1x200x64xf32, #tpu.memory_space<hbm>>
    %dma_wait3A_124 = tpu.memref_squeeze %dma_wait3A_123 : memref<1x200x64xf32, #tpu.memory_space<hbm>> -> memref<200x64xf32, #tpu.memory_space<hbm>>
    tpu.wait_dma2 semaphore(%dma_wait3A_120 : memref<!tpu.dma_semaphore, #tpu.memory_space<semaphore_mem>>) src(%arg16 : memref<200x64xf32, #tpu.memory_space<vmem>>) dst(%dma_wait3A_124 : memref<200x64xf32, #tpu.memory_space<hbm>>)
    %dma_wait3A_125 = arith.constant 0 : i32
    %dma_wait3A_126 = arith.constant 4 : i32
    %dma_wait3A_127 = arith.constant 0 : i32
    %dma_wait3A_128 = arith.constant 0 : i32
    %dma_wait3A_129 = tpu.memref_slice %arg4[%dma_wait3A_125, %dma_wait3A_127, %dma_wait3A_128] : memref<16384x200x128xf32, #tpu.memory_space<hbm>> -> memref<1x200x64xf32, #tpu.memory_space<hbm>>
    %dma_wait3A_130 = tpu.memref_squeeze %dma_wait3A_129 : memref<1x200x64xf32, #tpu.memory_space<hbm>> -> memref<200x64xf32, #tpu.memory_space<hbm>>
    %dma_wait3A_131 = tpu.memref_slice %arg23[%dma_wait3A_126] : memref<8x!tpu.dma_semaphore, #tpu.memory_space<semaphore_mem>> -> memref<1x!tpu.dma_semaphore, #tpu.memory_space<semaphore_mem>>
    %dma_wait3A_132 = tpu.memref_squeeze %dma_wait3A_131 : memref<1x!tpu.dma_semaphore, #tpu.memory_space<semaphore_mem>> -> memref<!tpu.dma_semaphore, #tpu.memory_space<semaphore_mem>>
    %dma_wait3A_133 = arith.constant 0 : i32
    %dma_wait3A_134 = arith.constant 0 : i32
    %dma_wait3A_135 = tpu.memref_slice %arg4[%dma_wait3A_125, %dma_wait3A_133, %dma_wait3A_134] : memref<16384x200x128xf32, #tpu.memory_space<hbm>> -> memref<1x200x64xf32, #tpu.memory_space<hbm>>
    %dma_wait3A_136 = tpu.memref_squeeze %dma_wait3A_135 : memref<1x200x64xf32, #tpu.memory_space<hbm>> -> memref<200x64xf32, #tpu.memory_space<hbm>>
    tpu.wait_dma2 semaphore(%dma_wait3A_132 : memref<!tpu.dma_semaphore, #tpu.memory_space<semaphore_mem>>) src(%arg17 : memref<200x64xf32, #tpu.memory_space<vmem>>) dst(%dma_wait3A_136 : memref<200x64xf32, #tpu.memory_space<hbm>>)
    %dma_wait3A_137 = arith.constant 0 : i32
    %dma_wait3A_138 = arith.constant 5 : i32
    %dma_wait3A_139 = arith.constant 0 : i32
    %dma_wait3A_140 = arith.constant 0 : i32
    %dma_wait3A_141 = tpu.memref_slice %arg4[%dma_wait3A_137, %dma_wait3A_139, %dma_wait3A_140] : memref<16384x200x128xf32, #tpu.memory_space<hbm>> -> memref<1x200x64xf32, #tpu.memory_space<hbm>>
    %dma_wait3A_142 = tpu.memref_squeeze %dma_wait3A_141 : memref<1x200x64xf32, #tpu.memory_space<hbm>> -> memref<200x64xf32, #tpu.memory_space<hbm>>
    %dma_wait3A_143 = tpu.memref_slice %arg23[%dma_wait3A_138] : memref<8x!tpu.dma_semaphore, #tpu.memory_space<semaphore_mem>> -> memref<1x!tpu.dma_semaphore, #tpu.memory_space<semaphore_mem>>
    %dma_wait3A_144 = tpu.memref_squeeze %dma_wait3A_143 : memref<1x!tpu.dma_semaphore, #tpu.memory_space<semaphore_mem>> -> memref<!tpu.dma_semaphore, #tpu.memory_space<semaphore_mem>>
    %dma_wait3A_145 = arith.constant 0 : i32
    %dma_wait3A_146 = arith.constant 0 : i32
    %dma_wait3A_147 = tpu.memref_slice %arg4[%dma_wait3A_137, %dma_wait3A_145, %dma_wait3A_146] : memref<16384x200x128xf32, #tpu.memory_space<hbm>> -> memref<1x200x64xf32, #tpu.memory_space<hbm>>
    %dma_wait3A_148 = tpu.memref_squeeze %dma_wait3A_147 : memref<1x200x64xf32, #tpu.memory_space<hbm>> -> memref<200x64xf32, #tpu.memory_space<hbm>>
    tpu.wait_dma2 semaphore(%dma_wait3A_144 : memref<!tpu.dma_semaphore, #tpu.memory_space<semaphore_mem>>) src(%arg18 : memref<200x64xf32, #tpu.memory_space<vmem>>) dst(%dma_wait3A_148 : memref<200x64xf32, #tpu.memory_space<hbm>>)
    %dma_wait3A_149 = arith.constant 0 : i32
    %dma_wait3A_150 = arith.constant 6 : i32
    %dma_wait3A_151 = arith.constant 0 : i32
    %dma_wait3A_152 = arith.constant 0 : i32
    %dma_wait3A_153 = tpu.memref_slice %arg4[%dma_wait3A_149, %dma_wait3A_151, %dma_wait3A_152] : memref<16384x200x128xf32, #tpu.memory_space<hbm>> -> memref<1x200x64xf32, #tpu.memory_space<hbm>>
    %dma_wait3A_154 = tpu.memref_squeeze %dma_wait3A_153 : memref<1x200x64xf32, #tpu.memory_space<hbm>> -> memref<200x64xf32, #tpu.memory_space<hbm>>
    %dma_wait3A_155 = tpu.memref_slice %arg23[%dma_wait3A_150] : memref<8x!tpu.dma_semaphore, #tpu.memory_space<semaphore_mem>> -> memref<1x!tpu.dma_semaphore, #tpu.memory_space<semaphore_mem>>
    %dma_wait3A_156 = tpu.memref_squeeze %dma_wait3A_155 : memref<1x!tpu.dma_semaphore, #tpu.memory_space<semaphore_mem>> -> memref<!tpu.dma_semaphore, #tpu.memory_space<semaphore_mem>>
    %dma_wait3A_157 = arith.constant 0 : i32
    %dma_wait3A_158 = arith.constant 0 : i32
    %dma_wait3A_159 = tpu.memref_slice %arg4[%dma_wait3A_149, %dma_wait3A_157, %dma_wait3A_158] : memref<16384x200x128xf32, #tpu.memory_space<hbm>> -> memref<1x200x64xf32, #tpu.memory_space<hbm>>
    %dma_wait3A_160 = tpu.memref_squeeze %dma_wait3A_159 : memref<1x200x64xf32, #tpu.memory_space<hbm>> -> memref<200x64xf32, #tpu.memory_space<hbm>>
    tpu.wait_dma2 semaphore(%dma_wait3A_156 : memref<!tpu.dma_semaphore, #tpu.memory_space<semaphore_mem>>) src(%arg19 : memref<200x64xf32, #tpu.memory_space<vmem>>) dst(%dma_wait3A_160 : memref<200x64xf32, #tpu.memory_space<hbm>>)
    %dma_wait3A_161 = arith.constant 0 : i32
    %dma_wait3A_162 = arith.constant 7 : i32
    %dma_wait3A_163 = arith.constant 0 : i32
    %dma_wait3A_164 = arith.constant 0 : i32
    %dma_wait3A_165 = tpu.memref_slice %arg4[%dma_wait3A_161, %dma_wait3A_163, %dma_wait3A_164] : memref<16384x200x128xf32, #tpu.memory_space<hbm>> -> memref<1x200x64xf32, #tpu.memory_space<hbm>>
    %dma_wait3A_166 = tpu.memref_squeeze %dma_wait3A_165 : memref<1x200x64xf32, #tpu.memory_space<hbm>> -> memref<200x64xf32, #tpu.memory_space<hbm>>
    %dma_wait3A_167 = tpu.memref_slice %arg23[%dma_wait3A_162] : memref<8x!tpu.dma_semaphore, #tpu.memory_space<semaphore_mem>> -> memref<1x!tpu.dma_semaphore, #tpu.memory_space<semaphore_mem>>
    %dma_wait3A_168 = tpu.memref_squeeze %dma_wait3A_167 : memref<1x!tpu.dma_semaphore, #tpu.memory_space<semaphore_mem>> -> memref<!tpu.dma_semaphore, #tpu.memory_space<semaphore_mem>>
    %dma_wait3A_169 = arith.constant 0 : i32
    %dma_wait3A_170 = arith.constant 0 : i32
    %dma_wait3A_171 = tpu.memref_slice %arg4[%dma_wait3A_161, %dma_wait3A_169, %dma_wait3A_170] : memref<16384x200x128xf32, #tpu.memory_space<hbm>> -> memref<1x200x64xf32, #tpu.memory_space<hbm>>
    %dma_wait3A_172 = tpu.memref_squeeze %dma_wait3A_171 : memref<1x200x64xf32, #tpu.memory_space<hbm>> -> memref<200x64xf32, #tpu.memory_space<hbm>>
    tpu.wait_dma2 semaphore(%dma_wait3A_168 : memref<!tpu.dma_semaphore, #tpu.memory_space<semaphore_mem>>) src(%arg20 : memref<200x64xf32, #tpu.memory_space<vmem>>) dst(%dma_wait3A_172 : memref<200x64xf32, #tpu.memory_space<hbm>>)
    return
  }
}

</mosaic_0001>

<sc_bundles>
// kernel: kernel.3.cloned.1.call-start
scs
__scs_entry_jumppad:
0x0: {  	(pc) =	sbr.rel $0x88, $3  }
0x1: {  	(tag) =	ssettag $0x0;
	lr =	simm.s32 $0x1  }
0x2: {  	[smem:$0x3F9F] =	sst lr;
	_ =	strace $0xD0000000  }
0x3: {  	_ = 	snop  }
0x4: {  	_ = 	snop  }
0x5: {  	_ = 	snop  }
0x6: {  	_ = 	snop  }
0x7: {  	_ = 	snop  }
__scs_overlays_trampoline_lowered:
0x8: {  	[smem:$0x3FAE] =	sst s0  }
0x9: {  	[smem:$0x3FAF] =	sst s1  }
0xa: {  	[smem:$0x3FB0] =	sst s2  }
0xb: {  	[smem:$0x3FB1] =	sst s3  }
0xc: {  	[smem:$0x3FB2] =	sst s4  }
0xd: {  	[smem:$0x3FB3] =	sst s5  }
0xe: {  	[smem:$0x3FB4] =	sst s6  }
0xf: {  	[smem:$0x3FB5] =	sst s7  }
0x10: {  	[smem:$0x3FB6] =	sst s8  }
0x11: {  	[smem:$0x3FB7] =	sst s9;
	s0 =	simm.s32 @!p0 $0x0  }
0x12: {  	s1 =	sld [smem:$0x3F9D];
	s0 =	simm.s32 @p0 $0x1  }
0x13: {  	[smem:$0x3FB8] =	sst s0;
	s0 =	simm.s32 @!p1 $0x0  }
0x14: {  	s2 =	sld [smem:$0x3F9C];
	s0 =	simm.s32 @p1 $0x1  }
0x15: {  	[smem:$0x3FB9] =	sst s0;
	s0 =	simm.s32 @!p2 $0x0  }
0x16: {  	s3 =	sld [smem:$0x3FDB];
	s0 =	simm.s32 @p2 $0x1  }
0x17: {  	s4 =	simm.s32 $0x1BF5;
	[smem:$0x3FBB] =	sst s0  }
0x18: {  	s0 =	sld [smem:$0x3F9E];
	_ =	swait.ge [sflag:s4], $0x0  }
0x19: {  	s7 =	sld [smem:$0x3F9F]  }
0x1a: {  	s8 =	sadd.s32 $0xFFFFE003, lr  }
0x1b: {  	s9 =	sadd.s32 $0xFFFFFEF7, lr;
	s5 =	simm.s32 $0xFFFFFFFF;
	p2 =	slt.u32 s8, $0xFFFFF086  }
0x1c: {  	p1 =	slt.u32 s9, $0xF7A;
	s5 =	simm.s32 @!p2 $0x0  }
0x1d: {  	s5 =	simm.s32 @p1 $0x1;
	p0 =	seq.s32 s7, s2  }
0x1e: {  	s7 =	smul.u32 @!p0 $0xF7A, s2;
	p2 =	seq.s32 @!p0 s5, $0x0  }
0x1f: {  	s9 =	smul.u32 $0xF7A, s1;
	s8 =	simm.s32 @!p0 $0x1BF5;
	p2 =	por !p2, p0  }
0x20: {  	[sflag:s8] =	ssyncset.s32 @!p0 $0xFFFFF086;
	s6 =	sadd.s32 @!p0 s3, s7;
	s7 =	simm.s32 @!p0 $0x108  }
0x21: {  	s3 =	sadd.s32 s3, s9;
	s6 =	sadd.s32 @!p0 $0x88, s6;
	s7 =	simm.s32 @p2 $0x1082  }
0x22: {  	[simem:s7], [sflag:s8] =	dma.local @!p0 [hbm:s6], $0xF7A  }
0x23: {  	s9 =	sor.u32 $0xD0000000, s2;
	s6 =	simm.s32 $0x108;
	_ =	swait.ge @!p0 [sflag:s8], $0x0  }
0x24: {  	s3 =	sadd.s32 $0x88, s3;
	s6 =	simm.s32 @!p1 $0x1082;
	[sflag:s4] =	ssyncset.s32 $0xFFFFF086  }
0x25: {  	[simem:s6], [sflag:s4] =	dma.local [hbm:s3], $0xF7A  }
0x26: {  	[smem:$0x3F9F] =	sst s1;
	(tag) =	ssettag s2;
	_ =	strace s9  }
0x27: {  	s1 =	sld [smem:$0x3FAF]  }
0x28: {  	s2 =	sld [smem:$0x3FB0]  }
0x29: {  	s4 =	sld [smem:$0x3FB2]  }
0x2a: {  	p0 =	seq.s32 s5, $0x0;
	s5 =	sld [smem:$0x3FB3]  }
0x2b: {  	s6 =	sld [smem:$0x3FB4]  }
0x2c: {  	s7 =	sld [smem:$0x3FB5]  }
0x2d: {  	s3 =	simm.s32 $0x108;
	s8 =	sld [smem:$0x3FB6]  }
0x2e: {  	s3 =	simm.s32 @!p0 $0x1082;
	s9 =	sld [smem:$0x3FB7]  }
0x2f: {  	lr =	sadd.s32 s0, s3;
	s0 =	sld [smem:$0x3FAE]  }
0x30: {  	s3 =	sld [smem:$0x3FB1]  }
0x31: {  	[smem:$0x3FBA] =	sst s10  }
0x32: {  	s10 =	sld [smem:$0x3FB8];
	_ =	sdelay $0x3  }
0x33: {  	p0 =	seq.s32 s10, $0x1;
	s10 =	sld [smem:$0x3FBA];
	_ =	sdelay $0x3  }
0x34: {  	[smem:$0x3FBA] =	sst s10  }
0x35: {  	s10 =	sld [smem:$0x3FB9];
	_ =	sdelay $0x3  }
0x36: {  	p1 =	seq.s32 s10, $0x1;
	s10 =	sld [smem:$0x3FBA];
	_ =	sdelay $0x3  }
0x37: {  	[smem:$0x3FBA] =	sst s10  }
0x38: {  	s10 =	sld [smem:$0x3FBB]  }
0x39: {  	_ = 	snop;
	(pc) =	sbr.ind lr, $3  }
0x3a: {  	_ = 	snop  }
0x3b: {  	_ = 	snop  }
0x3c: {  	p2 =	seq.s32 s10, $0x1;
	s10 =	sld [smem:$0x3FBA]  }
0x3d: {  	_ =	shalt  }
0x3e: {  	_ =	shalt  }
0x3f: {  	_ =	shalt  }
0x40: {  	_ =	shalt  }
0x41: {  	_ =	shalt  }
0x42: {  	_ =	shalt  }
0x43: {  	_ =	shalt  }
0x44: {  	_ =	shalt  }
0x45: {  	_ =	shalt  }
0x46: {  	_ =	shalt  }
0x47: {  	_ =	shalt  }
0x48: {  	_ =	shalt  }
0x49: {  	_ =	shalt  }
0x4a: {  	_ =	shalt  }
0x4b: {  	_ =	shalt  }
0x4c: {  	_ =	shalt  }
0x4d: {  	_ =	shalt  }
0x4e: {  	_ =	shalt  }
0x4f: {  	_ =	shalt  }
0x50: {  	_ =	shalt  }
0x51: {  	_ =	shalt  }
0x52: {  	_ =	shalt  }
0x53: {  	_ =	shalt  }
0x54: {  	_ =	shalt  }
0x55: {  	_ =	shalt  }
0x56: {  	_ =	shalt  }
0x57: {  	_ =	shalt  }
0x58: {  	_ =	shalt  }
0x59: {  	_ =	shalt  }
0x5a: {  	_ =	shalt  }
0x5b: {  	_ =	shalt  }
0x5c: {  	_ =	shalt  }
0x5d: {  	_ =	shalt  }
0x5e: {  	_ =	shalt  }
0x5f: {  	_ =	shalt  }
0x60: {  	_ =	shalt  }
0x61: {  	_ =	shalt  }
0x62: {  	_ =	shalt  }
0x63: {  	_ =	shalt  }
0x64: {  	_ =	shalt  }
0x65: {  	_ =	shalt  }
0x66: {  	_ =	shalt  }
0x67: {  	_ =	shalt  }
0x68: {  	_ =	shalt  }
0x69: {  	_ =	shalt  }
0x6a: {  	_ =	shalt  }
0x6b: {  	_ =	shalt  }
0x6c: {  	_ =	shalt  }
0x6d: {  	_ =	shalt  }
0x6e: {  	_ =	shalt  }
0x6f: {  	_ =	shalt  }
0x70: {  	_ =	shalt  }
0x71: {  	_ =	shalt  }
0x72: {  	_ =	shalt  }
0x73: {  	_ =	shalt  }
0x74: {  	_ =	shalt  }
0x75: {  	_ =	shalt  }
0x76: {  	_ =	shalt  }
0x77: {  	_ =	shalt  }
0x78: {  	_ =	shalt  }
0x79: {  	_ =	shalt  }
0x7a: {  	_ =	shalt  }
0x7b: {  	_ =	shalt  }
0x7c: {  	_ =	shalt  }
0x7d: {  	_ =	shalt  }
0x7e: {  	_ =	shalt  }
0x7f: {  	_ =	shalt  }
0x80: {  	_ =	shalt  }
0x81: {  	_ =	shalt  }
0x82: {  	_ =	shalt  }
0x83: {  	_ =	shalt  }
0x84: {  	_ =	shalt  }
0x85: {  	_ =	shalt  }
0x86: {  	_ =	shalt  }
0x87: {  	_ =	shalt  }
.Lfunc_end0:
.L_simem_size_0:
called_computation.1_lowered:
.L_overlay_start_0:
0x88: {  	s2 =	sld [smem:$0x3FD9]  }
0x89: {  	s3 =	sld [smem:$0x3FFE];
	_ =	sdelay $0x1  }
0x8a: {  	s1 =	srdreg.scid  }
0x8b: {  	s0 =	sand.u32 $0x1, s1  }
0x8c: {  	s16 =	sshll.u32 s0, $0xA;
	s2 =	sadd.s32 s3, s2  }
0x8d: {  	s2 =	sadd.s32 s2, s16  }
0x8e: {  	[smem:$0x3FC6] =	sst s2  }
0x8f: {  	_ = 	snop  }
0x90: {  	(tm) =	ssettm $0x1  }
0x91: {  	s17 =	sld [smem:$0x3FFB];
	_ =	sdelay $0x3  }
0x92: {  	_ =	strace s17  }
0x93: {  	s2 =	sld [smem:$0x3FFC];
	_ =	sdelay $0x3  }
0x94: {  	_ =	strace s2  }
0x95: {  	s2 =	sld [smem:$0x3FFD];
	_ =	sdelay $0x3  }
0x96: {  	_ =	strace s2  }
0x97: {  	_ =	strace $0x8FFFFFFF  }
0x98: {  	s18 =	sld [smem:$0x3FDB];
	_ =	sdelay $0x1  }
0x99: {  	s19 =	simm.s32 $_scs_section_size  }
0x9a: {  	s4 =	simm.s32 $_size__tile_overlayer_lowered;
	s5 =	simm.s32 $_tile_overlayer_lowered  }
0x9b: {  	s22 =	simm.s32 $0x1BFF;
	s21 =	sshll.u32 s5, $0x1;
	s2 =	sadd.s32 s19, s18  }
0x9c: {  	s6 =	simm.s32 $0x0;
	s20 =	sshll.u32 s4, $0x1;
	s4 =	sadd.s32 s21, s2  }
0x9d: {  	[timem:s6], [sflag:s22] =	dma.local [hbm:s4], s20  }
0x9e: {  	_ =	swait.ge [sflag:s22], s20  }
0x9f: {  	s3 =	ssub.s32 $0x0, s20;
	[sflag:s22] =	ssyncset.done $0x0  }
0xa0: {  	[sflag:s22] =	ssyncadd.s32 s3;
	_ =	sdelay $0x1  }
0xa1: {  	s23 =	simm.s32 $0x1B8B  }
0xa2: {  	_ =	swait.ge [sflag:s23], $0x1  }
0xa3: {  	[sflag:s23] =	ssyncset.done $0x0  }
0xa4: {  	s25 =	simm.s32 $0x1B8E;
	s24 =	sld [smem:$0x3FFE];
	[sflag:s23] =	ssyncadd.s32 $0xFFFFFFFF  }
0xa5: {  	s26 =	simm.s32 $execute0_lowered;
	[smem:$0x3FD2] =	sst s25  }
0xa6: {  	s4 =	sshll.u32 s26, $0x1;
	_ =	strace $0x80000046;
	[dreg:$0x1] =	wrdreg $0xFFFFFFFF  }
0xa7: {  	s28 =	simm.s32 $_size_execute0_lowered;
	s2 =	sadd.s32 s2, s4;
	[dreg:$0x0] =	wrdreg $0x0  }
0xa8: {  	s4 =	sshll.u32 s28, $0x1;
	[dreg:$0x2] =	wrdreg s2  }
0xa9: {  	[dreg:$0x3] =	wrdreg s4  }
0xaa: {  	[dreg:$0x4] =	wrdreg $0xC0  }
0xab: {  	_ =	task [dreg:s6], $0x5FFFF  }
0xac: {  	[dreg:$0x1] =	wrdreg $0xFFFFFFFF  }
0xad: {  	[dreg:$0x0] =	wrdreg $0x60  }
0xae: {  	[dreg:$0x2] =	wrdreg s24  }
0xaf: {  	[dreg:$0x3] =	wrdreg $0x9  }
0xb0: {  	_ =	task.clear_ibuf [dreg:s6], $0x4FFFF;
	_ =	strace $0x90000046  }
0xb1: {  	s29 =	simm.s32 $0x9;
	_ =	strace $0x80000048  }
0xb2: {  	_ =	swait.ge [sflag:s29], $0x1  }
0xb3: {  	[sflag:s29] =	ssyncadd.s32 $0xFFFFFFFF  }
0xb4: {  	_ =	strace $0x90000048  }
0xb5: {  	_ =	sfence  }
0xb6: {  	s30 =	sld [smem:$0x0];
	_ =	sdelay $0x2  }
0xb7: {  	s31 =	sshll.u32 s1, $0xD;
	s1 =	sshrl.u32 s1, $0x2  }
0xb8: {  	s3 =	sand.u32 $0x4000, s31;
	s1 =	sadd.s32 s1, s30  }
0xb9: {  	s0 =	sor.u32 s3, s0;
	s1 =	sshll.u32 s1, $0x11  }
0xba: {  	s0 =	sor.u32 s1, s0  }
0xbb: {  	s0 =	sadd.s32 $0x8F2B, s0  }
0xbc: {  	[sflag:s0] =	ssyncadd.remote.s32 $0x1  }
0xbd: {  	_ =	sfence.sel $0xFFFF  }
0xbe: {  	[dreg:$0x0] =	wrdreg $0xFFFFFFFF;
	(pc) =	sbr.abs _section_cstart, $3  }
0xbf: {  	[dreg:$0x1] =	wrdreg $0xFFFFFFFF  }
0xc0: {  	_ =	task.clear_ibuf [dreg:s6], $0x2FFFF;
	_ =	strace $0x9FFFFFFF  }
0xc1: {  	(tm) =	ssettm $0x7FFFFFFF  }
tec
execute0_lowered:
.L_overlay_start_1:
0x0: {  	(tag) =	ssettag $0x1  }
0x1: {  	s0 =	srdreg.scid;
	s8 =	stileid.u32  }
0x2: {  	s1 =	rddreg [dreg:$0x0];
	s3 =	simm.s32 $0x0;
	s31 =	simm.s32 $0xC8  }
0x3: {  	s30 =	simm.s32 $0x3E8;
	s29 =	simm.s32 $0x3840;
	s0 =	sand.u32 $0x1, s0  }
0x4: {  	s2 =	sshll.u32 s8, $0x1;
	[smem:$0x7FF] =	sst s3;
	s4 =	smul.u32 $0x32000, s8  }
0x5: {  	s5 =	sadd.s32 $0x800, s1;
	s3 =	sadd.s32 $0x64800, s1;
	s16 =	smul.u32 $0x1900000, s8  }
0x6: {  	s1 =	sadd.s32 $0x805A00, s1;
	s2 =	sor.u32 s0, s2;
	s7 =	smul.u32 $0x19000, s0  }
0x7: {  	_ =	strace $0x80000047;
	s6 =	ssub.s32 $0x2, s0;
	s2 =	smul.u32 $0x3200, s2  }
0x8: {  	[dreg:$0x2] =	wrdreg s1;
	s18 =	smul.u32 $0xC80000, s0;
	s23 =	sshrl.u32 s6, $0x1  }
0x9: {  	s0 =	smul.u32 $0x190000, s0;
	s1 =	ssub.s32 s6, s23;
	s9 =	sadd.s32 s5, s2  }
0xa: {  	s2 =	sadd.s32 s7, s4;
	s1 =	smax.u32 s1, $0x1;
	s24 =	sadd.s32 $0x19, s9  }
0xb: {  	s25 =	sadd.s32 $0x32, s9;
	s26 =	sor.u32 $0xBB8, s2;
	[dreg:$0x7] =	wrdreg s1  }
0xc: {  	s7 =	sadd.s32 $0x4B, s9;
	s11 =	sor.u32 $0xAF0, s2;
	[dreg:$0x3] =	wrdreg s9  }
0xd: {  	s12 =	sor.u32 $0xA28, s2;
	s13 =	sor.u32 $0x960, s2;
	[dreg:$0x4] =	wrdreg s24  }
0xe: {  	s15 =	sor.u32 $0x898, s2;
	s17 =	sor.u32 $0x7D0, s2;
	[dreg:$0x5] =	wrdreg s25  }
0xf: {  	s22 =	sor.u32 $0x708, s2;
	[dreg:$0x6] =	wrdreg s7;
	s10 =	sshrl.u32 s26, $0x3  }
0x10: {  	s1 =	sshrl.u32 s11, $0x3;
	s4 =	sshrl.u32 s12, $0x3;
	s14 =	sshrl.u32 s13, $0x3  }
0x11: {  	s19 =	sshrl.u32 s17, $0x3;
	s24 =	sshrl.u32 s22, $0x3;
	s11 =	sor.u32 $0x640, s2  }
0x12: {  	s12 =	smul.u32 $0x320000, s8;
	s17 =	sadd.s32 $0x64, s9;
	s2 =	simm.s32 $0x40  }
0x13: {  	s20 =	sadd.s32 s10, s5;
	s21 =	sadd.s32 s1, s5;
	s23 =	sadd.s32 s4, s5  }
0x14: {  	s1 =	sadd.s32 s14, s5;
	s4 =	sadd.s32 s18, s16;
	s7 =	sadd.s32 s24, s5  }
0x15: {  	[dreg:$0xd] =	wrdreg s17;
	s24 =	sadd.s32 $0x96, s9;
	s17 =	simm.s32 $0xE  }
0x16: {  	[dreg:$0x8] =	wrdreg s1;
	s1 =	sshrl.u32 s15, $0x3;
	s25 =	sor.u32 $0x25800, s4  }
0x17: {  	s26 =	sor.u32 $0x19000, s4;
	s10 =	sor.u32 $0xC800, s4;
	s13 =	sor.u32 $0x2BC00, s4  }
0x18: {  	s14 =	sor.u32 $0x1F400, s4;
	s28 =	sadd.s32 s0, s12;
	s15 =	sor.u32 $0x12C00, s4  }
0x19: {  	s16 =	sor.u32 $0x6400, s4;
	[dreg:$0xf] =	wrdreg s24;
	s1 =	sadd.s32 s1, s5  }
0x1a: {  	s4 =	simm.s32 $0x0;
	s6 =	sshrl.u32 s26, $0x3;
	[dreg:$0x9] =	wrdreg s1  }
0x1b: {  	s18 =	sshrl.u32 s25, $0x3;
	s0 =	sshrl.u32 s15, $0x3;
	[dreg:$0x11] =	wrdreg s6  }
0x1c: {  	s22 =	sshrl.u32 s13, $0x3;
	s26 =	sadd.s32 $0xAF, s9;
	[dreg:$0xc] =	wrdreg s0  }
0x1d: {  	s1 =	sadd.s32 s19, s5;
	s6 =	sshrl.u32 s16, $0x3;
	[dreg:$0x10] =	wrdreg s26  }
0x1e: {  	s19 =	sadd.s32 $0x7D, s9;
	s9 =	simm.s32 $0x258;
	[dreg:$0xa] =	wrdreg s1  }
0x1f: {  	s0 =	simm.s32 $0x80;
	s1 =	sshrl.u32 s10, $0x3;
	[dreg:$0xe] =	wrdreg s19  }
0x20: {  	s10 =	simm.s32 $0xA;
	[dreg:$0x12] =	wrdreg s1;
	s1 =	sshrl.u32 s11, $0x3  }
0x21: {  	s11 =	simm.s32 $0xC;
	s25 =	sadd.s32 s1, s5;
	s1 =	sshrl.u32 s14, $0x3  }
0x22: {  	s14 =	simm.s32 $0x578;
	s5 =	simm.s32 $0x9C40;
	[dreg:$0xb] =	wrdreg s1  }
.LBB2_1:
0x23: {  	[dreg:$0x13] =	wrdreg s4  }
0x24: {  	s13 =	rddreg [dreg:$0x3]  }
0x25: {  	s12 =	simm.s32 $0x0;
	s1 =	rddreg [dreg:$0x4]  }
0x26: {  	[tilespmem:s12], [sflag:$0x1] =	stream.linear.gather [hbm4b:s13+s12], $0xC8, $0x38;
	[tilespmem:$0x19640] =	vst v63  }
0x27: {  	s4 =	rddreg [dreg:$0x5]  }
0x28: {  	[tilespmem:s31], [sflag:$0x2] =	stream.linear.gather [hbm4b:s1+s12], $0xC8, $0x38;
	[tilespmem:$0x19640] =	vst v63  }
0x29: {  	s8 =	simm.s32 $0x190;
	s16 =	rddreg [dreg:$0xe]  }
0x2a: {  	[tilespmem:s8], [sflag:$0x3] =	stream.linear.gather [hbm4b:s4+s12], $0xC8, $0x38;
	[tilespmem:$0x19640] =	vst v63  }
0x2b: {  	s8 =	rddreg [dreg:$0x6]  }
0x2c: {  	[tilespmem:s9], [sflag:$0x4] =	stream.linear.gather [hbm4b:s8+s12], $0xC8, $0x38;
	[tilespmem:$0x19640] =	vst v63  }
0x2d: {  	s15 =	simm.s32 $0x320;
	s13 =	rddreg [dreg:$0xd]  }
0x2e: {  	[tilespmem:s15], [sflag:$0x5] =	stream.linear.gather [hbm4b:s13+s12], $0xC8, $0x38;
	[tilespmem:$0x19640] =	vst v63  }
0x2f: {  	s19 =	rddreg [dreg:$0xf]  }
0x30: {  	[tilespmem:s30], [sflag:$0x6] =	stream.linear.gather [hbm4b:s16+s12], $0xC8, $0x38;
	[tilespmem:$0x19640] =	vst v63  }
0x31: {  	s24 =	simm.s32 $0x4B0;
	s26 =	rddreg [dreg:$0x10]  }
0x32: {  	[tilespmem:s24], [sflag:$0x7] =	stream.linear.gather [hbm4b:s19+s12], $0xC8, $0x38;
	[tilespmem:$0x19640] =	vst v63  }
0x33: {  	s19 =	rddreg [dreg:$0x11]  }
0x34: {  	[tilespmem:s14], [sflag:$0x8] =	stream.linear.gather [hbm4b:s26+s12], $0xC8, $0x38;
	[tilespmem:$0x19640] =	vst v63  }
0x35: {  	s1 =	simm.s32 $0x9;
	s12 =	rddreg [dreg:$0x2]  }
0x36: {  	s8 =	simm.s32 $0x16440;
	s13 =	simm.s32 $0x0;
	s26 =	rddreg [dreg:$0x12]  }
.LBB2_2:
0x37: {  	p0 =	seq.s32 s13, $0x0  }
0x38: {  	s14 =	simm.s32 @p0 $0x1  }
0x39: {  	_ =	swait.ge @p0 [sflag:s14], $0xC8  }
0x3a: {  	s15 =	simm.s32 @p0 $0x0;
	[sflag:s14] =	ssyncset.done @p0 $0x0  }
0x3b: {  	s16 =	simm.s32 @p0 $0x640;
	[sflag:s14] =	ssyncadd.s32 @p0 $0xFFFFFF38;
	s14 =	simm.s32 @p0 $0xC8  }
0x3c: {  	[tilespmem:s16], [sflag:$0x9] =	stream.indirect.gather @p0 [hbm4b:s3+s14], $0x40, s15, s14, $0xb8;
	[tilespmem:$0x19640] =	vst v63  }
0x3d: {  	s15 =	simm.s32 @!p0 $0x11  }
0x3e: {  	_ =	swait.ge @!p0 [sflag:s15], $0x3200  }
0x3f: {  	[sflag:s15] =	ssyncset.done @!p0 $0x0  }
0x40: {  	[sflag:s15] =	ssyncadd.s32 @!p0 $0xFFFFCE00;
	s15 =	simm.s32 @!p0 $0x1  }
0x41: {  	_ =	swait.ge @!p0 [sflag:s15], $0xC8  }
0x42: {  	s24 =	smov.u32 s20;
	s20 =	simm.s32 @!p0 $0x640;
	[sflag:s15] =	ssyncset.done @!p0 $0x0  }
0x43: {  	s16 =	simm.s32 @!p0 $0x0;
	[sflag:s15] =	ssyncadd.s32 @!p0 $0xFFFFFF38;
	s15 =	simm.s32 @!p0 $0xC8  }
0x44: {  	[tilespmem:s20], [sflag:$0x9] =	stream.indirect.gather @!p0 [hbm4b:s3+s15], $0x40, s16, s15, $0xb8;
	[tilespmem:$0x19640] =	vst v63  }
0x45: {  	s16 =	simm.s32 @!p0 $0x12  }
0x46: {  	_ =	swait.ge @!p0 [sflag:s16], $0x3200  }
0x47: {  	[sflag:s16] =	ssyncset.done @!p0 $0x0  }
0x48: {  	s4 =	simm.s32 $0x2;
	[sflag:s16] =	ssyncadd.s32 @!p0 $0xFFFFCE00  }
0x49: {  	_ =	swait.ge [sflag:s4], $0xC8  }
0x4a: {  	[sflag:s4] =	ssyncset.done $0x0  }
0x4b: {  	s16 =	simm.s32 @p0 $0x3;
	[sflag:s4] =	ssyncadd.s32 $0xFFFFFF38  }
0x4c: {  	[tilespmem:s29], [sflag:$0xA] =	stream.indirect.gather [hbm4b:s3+s31], $0x40, s31, s31, $0xb8;
	[tilespmem:$0x19640] =	vst v63  }
0x4d: {  	_ =	swait.ge @p0 [sflag:s16], $0xC8  }
0x4e: {  	[sflag:s16] =	ssyncset.done @p0 $0x0  }
0x4f: {  	s20 =	simm.s32 @p0 $0x6A40;
	[sflag:s16] =	ssyncadd.s32 @p0 $0xFFFFFF38;
	s16 =	simm.s32 @p0 $0x190  }
0x50: {  	[tilespmem:s20], [sflag:$0xB] =	stream.indirect.gather @p0 [hbm4b:s3+s14], $0x40, s16, s14, $0xb8;
	[tilespmem:$0x19640] =	vst v63  }
0x51: {  	s16 =	simm.s32 @!p0 $0x13  }
0x52: {  	_ =	swait.ge @!p0 [sflag:s16], $0x3200  }
0x53: {  	[sflag:s16] =	ssyncset.done @!p0 $0x0  }
0x54: {  	[sflag:s16] =	ssyncadd.s32 @!p0 $0xFFFFCE00;
	s16 =	simm.s32 @!p0 $0x3  }
0x55: {  	_ =	swait.ge @!p0 [sflag:s16], $0xC8  }
0x56: {  	[sflag:s16] =	ssyncset.done @!p0 $0x0  }
0x57: {  	s20 =	simm.s32 @!p0 $0x6A40;
	[sflag:s16] =	ssyncadd.s32 @!p0 $0xFFFFFF38;
	s16 =	simm.s32 @!p0 $0x190  }
0x58: {  	[tilespmem:s20], [sflag:$0xB] =	stream.indirect.gather @!p0 [hbm4b:s3+s15], $0x40, s16, s15, $0xb8;
	[tilespmem:$0x19640] =	vst v63  }
0x59: {  	s16 =	simm.s32 @!p0 $0x14  }
0x5a: {  	_ =	swait.ge @!p0 [sflag:s16], $0x3200  }
0x5b: {  	[sflag:s16] =	ssyncset.done @!p0 $0x0  }
0x5c: {  	s20 =	simm.s32 $0x4;
	[sflag:s16] =	ssyncadd.s32 @!p0 $0xFFFFCE00  }
0x5d: {  	_ =	swait.ge [sflag:s20], $0xC8  }
0x5e: {  	[sflag:s20] =	ssyncset.done $0x0  }
0x5f: {  	s16 =	simm.s32 @p0 $0x5;
	[sflag:s20] =	ssyncadd.s32 $0xFFFFFF38  }
0x60: {  	[tilespmem:s5], [sflag:$0xC] =	stream.indirect.gather [hbm4b:s3+s31], $0x40, s9, s31, $0xb8;
	[tilespmem:$0x19640] =	vst v63  }
0x61: {  	_ =	swait.ge @p0 [sflag:s16], $0xC8  }
0x62: {  	[sflag:s16] =	ssyncset.done @p0 $0x0  }
0x63: {  	s20 =	simm.s32 @p0 $0xCE40;
	[sflag:s16] =	ssyncadd.s32 @p0 $0xFFFFFF38;
	s16 =	simm.s32 @p0 $0x320  }
0x64: {  	[tilespmem:s20], [sflag:$0xD] =	stream.indirect.gather @p0 [hbm4b:s3+s14], $0x40, s16, s14, $0xb8;
	[tilespmem:$0x19640] =	vst v63  }
0x65: {  	s16 =	simm.s32 @!p0 $0x15  }
0x66: {  	_ =	swait.ge @!p0 [sflag:s16], $0x3200  }
0x67: {  	[sflag:s16] =	ssyncset.done @!p0 $0x0  }
0x68: {  	[sflag:s16] =	ssyncadd.s32 @!p0 $0xFFFFCE00;
	s16 =	simm.s32 @!p0 $0x5  }
0x69: {  	_ =	swait.ge @!p0 [sflag:s16], $0xC8  }
0x6a: {  	[sflag:s16] =	ssyncset.done @!p0 $0x0  }
0x6b: {  	s20 =	simm.s32 @!p0 $0xCE40;
	[sflag:s16] =	ssyncadd.s32 @!p0 $0xFFFFFF38;
	s16 =	simm.s32 @!p0 $0x320  }
0x6c: {  	[tilespmem:s20], [sflag:$0xD] =	stream.indirect.gather @!p0 [hbm4b:s3+s15], $0x40, s16, s15, $0xb8;
	[tilespmem:$0x19640] =	vst v63  }
0x6d: {  	s16 =	simm.s32 @!p0 $0x16  }
0x6e: {  	_ =	swait.ge @!p0 [sflag:s16], $0x3200  }
0x6f: {  	[sflag:s16] =	ssyncset.done @!p0 $0x0  }
0x70: {  	[sflag:s16] =	ssyncadd.s32 @!p0 $0xFFFFCE00;
	s16 =	simm.s32 $0x6  }
0x71: {  	_ =	swait.ge [sflag:s16], $0xC8  }
0x72: {  	[sflag:s16] =	ssyncset.done $0x0  }
0x73: {  	s4 =	simm.s32 $0x10040;
	[sflag:s16] =	ssyncadd.s32 $0xFFFFFF38;
	s16 =	simm.s32 @p0 $0x7  }
0x74: {  	[tilespmem:s4], [sflag:$0xE] =	stream.indirect.gather [hbm4b:s3+s31], $0x40, s30, s31, $0xb8;
	[tilespmem:$0x19640] =	vst v63  }
0x75: {  	_ =	swait.ge @p0 [sflag:s16], $0xC8  }
0x76: {  	[sflag:s16] =	ssyncset.done @p0 $0x0  }
0x77: {  	s20 =	simm.s32 @p0 $0x13240;
	[sflag:s16] =	ssyncadd.s32 @p0 $0xFFFFFF38;
	s16 =	simm.s32 @p0 $0x4B0  }
0x78: {  	[tilespmem:s20], [sflag:$0xF] =	stream.indirect.gather @p0 [hbm4b:s3+s14], $0x40, s16, s14, $0xb8;
	[tilespmem:$0x19640] =	vst v63  }
0x79: {  	s14 =	simm.s32 @!p0 $0x17  }
0x7a: {  	_ =	swait.ge @!p0 [sflag:s14], $0x3200  }
0x7b: {  	[sflag:s14] =	ssyncset.done @!p0 $0x0  }
0x7c: {  	[sflag:s14] =	ssyncadd.s32 @!p0 $0xFFFFCE00;
	s14 =	simm.s32 @!p0 $0x7  }
0x7d: {  	_ =	swait.ge @!p0 [sflag:s14], $0xC8  }
0x7e: {  	[sflag:s14] =	ssyncset.done @!p0 $0x0  }
0x7f: {  	s16 =	simm.s32 @!p0 $0x13240;
	[sflag:s14] =	ssyncadd.s32 @!p0 $0xFFFFFF38;
	s14 =	simm.s32 @!p0 $0x4B0  }
0x80: {  	[tilespmem:s16], [sflag:$0xF] =	stream.indirect.gather @!p0 [hbm4b:s3+s15], $0x40, s14, s15, $0xb8;
	[tilespmem:$0x19640] =	vst v63  }
0x81: {  	s14 =	simm.s32 @!p0 $0x18  }
0x82: {  	_ =	swait.ge @!p0 [sflag:s14], $0x3200  }
0x83: {  	[sflag:s14] =	ssyncset.done @!p0 $0x0  }
0x84: {  	s20 =	simm.s32 $0x8;
	[sflag:s14] =	ssyncadd.s32 @!p0 $0xFFFFCE00  }
0x85: {  	_ =	swait.ge [sflag:s20], $0xC8  }
0x86: {  	[sflag:s20] =	ssyncset.done $0x0  }
0x87: {  	s14 =	simm.s32 $0x578;
	[sflag:s20] =	ssyncadd.s32 $0xFFFFFF38  }
0x88: {  	[tilespmem:s8], [sflag:$0x10] =	stream.indirect.gather [hbm4b:s3+s31], $0x40, s14, s31, $0xb8;
	[tilespmem:$0x19640] =	vst v63  }
0x89: {  	_ =	swait.ge [sflag:s1], $0x3200  }
0x8a: {  	s15 =	sadd.s32 s12, s28;
	[sflag:s1] =	ssyncset.done $0x0  }
0x8b: {  	s16 =	simm.s32 $0x640;
	p0 =	seq.s32 s13, $0x3138;
	[sflag:s1] =	ssyncadd.s32 $0xFFFFCE00  }
0x8c: {  	[hbm4b:s15+s2] =	stream.strided.scatter [tilespmem:s16], [sflag:$0x11], $0x3200, s0, s2, $0x38;
	[tilespmem:$0x19640] =	vst v63  }
0x8d: {  	s14 =	simm.s32 @!p0 $0x0;
	s15 =	sadd.s32 @!p0 s13, s25  }
0x8e: {  	[tilespmem:s14], [sflag:$0x1] =	stream.linear.gather @!p0 [hbm4b:s15+s14], $0xC8, $0x38;
	[tilespmem:$0x19640] =	vst v63  }
0x8f: {  	_ =	swait.ge [sflag:s10], $0x3200  }
0x90: {  	[sflag:s10] =	ssyncset.done $0x0  }
0x91: {  	s20 =	sadd.s32 s12, s6;
	s15 =	simm.s32 @p0 $0xB;
	[sflag:s10] =	ssyncadd.s32 $0xFFFFCE00  }
0x92: {  	[hbm4b:s20+s2] =	stream.strided.scatter [tilespmem:s29], [sflag:$0x12], $0x3200, s0, s2, $0x38;
	[tilespmem:$0x19640] =	vst v63  }
0x93: {  	s30 =	smov.u32 s25;
	s16 =	simm.s32 @p0 $0x40;
	_ =	swait.ge @p0 [sflag:s15], $0x3200  }
0x94: {  	s25 =	smov.u32 s21;
	s21 =	simm.s32 @p0 $0x6A40;
	[sflag:s15] =	ssyncset.done @p0 $0x0  }
0x95: {  	s20 =	simm.s32 @p0 $0x80;
	[sflag:s15] =	ssyncadd.s32 @p0 $0xFFFFCE00;
	s15 =	sadd.s32 @p0 s12, s26  }
0x96: {  	[hbm4b:s15+s16] =	stream.strided.scatter @p0 [tilespmem:s21], [sflag:$0x13], $0x3200, s20, s16, $0x38;
	[tilespmem:$0x19640] =	vst v63  }
0x97: {  	s15 =	sadd.s32 @!p0 s13, s7;
	s21 =	simm.s32 @!p0 $0xC8  }
0x98: {  	[tilespmem:s21], [sflag:$0x2] =	stream.linear.gather @!p0 [hbm4b:s15+s14], $0xC8, $0x38;
	[tilespmem:$0x19640] =	vst v63  }
0x99: {  	s15 =	simm.s32 @!p0 $0xB  }
0x9a: {  	s9 =	smov.u32 s7;
	s8 =	simm.s32 @!p0 $0x80;
	_ =	swait.ge @!p0 [sflag:s15], $0x3200  }
0x9b: {  	s7 =	smov.u32 s23;
	s23 =	simm.s32 @!p0 $0x6A40;
	[sflag:s15] =	ssyncset.done @!p0 $0x0  }
0x9c: {  	s21 =	simm.s32 @!p0 $0x40;
	[sflag:s15] =	ssyncadd.s32 @!p0 $0xFFFFCE00;
	s15 =	sadd.s32 @!p0 s12, s26  }
0x9d: {  	[hbm4b:s15+s21] =	stream.strided.scatter @!p0 [tilespmem:s23], [sflag:$0x13], $0x3200, s8, s21, $0x38;
	[tilespmem:$0x19640] =	vst v63  }
0x9e: {  	s15 =	rddreg [dreg:$0xa]  }
0x9f: {  	s23 =	simm.s32 @!p0 $0x190;
	s15 =	sadd.s32 @!p0 s13, s15  }
0xa0: {  	[tilespmem:s23], [sflag:$0x3] =	stream.linear.gather @!p0 [hbm4b:s15+s14], $0xC8, $0x38;
	[tilespmem:$0x19640] =	vst v63  }
0xa1: {  	_ =	swait.ge [sflag:s11], $0x3200  }
0xa2: {  	[sflag:s11] =	ssyncset.done $0x0;
	s23 =	rddreg [dreg:$0xc]  }
0xa3: {  	[sflag:s11] =	ssyncadd.s32 $0xFFFFCE00;
	s15 =	sadd.s32 s12, s23  }
0xa4: {  	[hbm4b:s15+s2] =	stream.strided.scatter [tilespmem:s5], [sflag:$0x14], $0x3200, s0, s2, $0x38;
	[tilespmem:$0x19640] =	vst v63  }
0xa5: {  	s15 =	simm.s32 @p0 $0xD  }
0xa6: {  	_ =	swait.ge @p0 [sflag:s15], $0x3200  }
0xa7: {  	[sflag:s15] =	ssyncset.done @p0 $0x0  }
0xa8: {  	s23 =	simm.s32 @p0 $0xCE40;
	[sflag:s15] =	ssyncadd.s32 @p0 $0xFFFFCE00;
	s15 =	sadd.s32 @p0 s12, s19  }
0xa9: {  	[hbm4b:s15+s16] =	stream.strided.scatter @p0 [tilespmem:s23], [sflag:$0x15], $0x3200, s20, s16, $0x38;
	[tilespmem:$0x19640] =	vst v63  }
0xaa: {  	s15 =	rddreg [dreg:$0x9]  }
0xab: {  	s23 =	simm.s32 @!p0 $0x258;
	s15 =	sadd.s32 @!p0 s13, s15  }
0xac: {  	[tilespmem:s23], [sflag:$0x4] =	stream.linear.gather @!p0 [hbm4b:s15+s14], $0xC8, $0x38;
	[tilespmem:$0x19640] =	vst v63  }
0xad: {  	s15 =	simm.s32 @!p0 $0xD  }
0xae: {  	_ =	swait.ge @!p0 [sflag:s15], $0x3200  }
0xaf: {  	[sflag:s15] =	ssyncset.done @!p0 $0x0  }
0xb0: {  	s23 =	simm.s32 @!p0 $0xCE40;
	[sflag:s15] =	ssyncadd.s32 @!p0 $0xFFFFCE00;
	s15 =	sadd.s32 @!p0 s12, s19  }
0xb1: {  	[hbm4b:s15+s21] =	stream.strided.scatter @!p0 [tilespmem:s23], [sflag:$0x15], $0x3200, s8, s21, $0x38;
	[tilespmem:$0x19640] =	vst v63  }
0xb2: {  	s15 =	rddreg [dreg:$0x8]  }
0xb3: {  	s23 =	simm.s32 @!p0 $0x320;
	s15 =	sadd.s32 @!p0 s13, s15  }
0xb4: {  	[tilespmem:s23], [sflag:$0x5] =	stream.linear.gather @!p0 [hbm4b:s15+s14], $0xC8, $0x38;
	[tilespmem:$0x19640] =	vst v63  }
0xb5: {  	_ =	swait.ge [sflag:s17], $0x3200  }
0xb6: {  	[sflag:s17] =	ssyncset.done $0x0;
	s23 =	rddreg [dreg:$0xb]  }
0xb7: {  	[sflag:s17] =	ssyncadd.s32 $0xFFFFCE00;
	s15 =	sadd.s32 s12, s23  }
0xb8: {  	[hbm4b:s15+s2] =	stream.strided.scatter [tilespmem:s4], [sflag:$0x16], $0x3200, s0, s2, $0x38;
	[tilespmem:$0x19640] =	vst v63  }
0xb9: {  	s15 =	simm.s32 @p0 $0xF  }
0xba: {  	_ =	swait.ge @p0 [sflag:s15], $0x3200  }
0xbb: {  	[sflag:s15] =	ssyncset.done @p0 $0x0  }
0xbc: {  	s23 =	simm.s32 @p0 $0x13240;
	[sflag:s15] =	ssyncadd.s32 @p0 $0xFFFFCE00;
	s15 =	sadd.s32 @p0 s12, s18  }
0xbd: {  	[hbm4b:s15+s16] =	stream.strided.scatter @p0 [tilespmem:s23], [sflag:$0x17], $0x3200, s20, s16, $0x38;
	[tilespmem:$0x19640] =	vst v63  }
0xbe: {  	s23 =	smov.u32 s7  }
0xbf: {  	s16 =	simm.s32 @!p0 $0x3E8;
	s15 =	sadd.s32 @!p0 s13, s23  }
0xc0: {  	[tilespmem:s16], [sflag:$0x6] =	stream.linear.gather @!p0 [hbm4b:s15+s14], $0xC8, $0x38;
	[tilespmem:$0x19640] =	vst v63  }
0xc1: {  	s15 =	simm.s32 @!p0 $0xF  }
0xc2: {  	_ =	swait.ge @!p0 [sflag:s15], $0x3200  }
0xc3: {  	[sflag:s15] =	ssyncset.done @!p0 $0x0  }
0xc4: {  	s16 =	simm.s32 @!p0 $0x13240;
	[sflag:s15] =	ssyncadd.s32 @!p0 $0xFFFFCE00;
	s15 =	sadd.s32 @!p0 s12, s18  }
0xc5: {  	[hbm4b:s15+s21] =	stream.strided.scatter @!p0 [tilespmem:s16], [sflag:$0x17], $0x3200, s8, s21, $0x38;
	[tilespmem:$0x19640] =	vst v63  }
0xc6: {  	s21 =	smov.u32 s25  }
0xc7: {  	s20 =	smov.u32 s24;
	s16 =	simm.s32 @!p0 $0x4B0;
	s15 =	sadd.s32 @!p0 s13, s21  }
0xc8: {  	[tilespmem:s16], [sflag:$0x7] =	stream.linear.gather @!p0 [hbm4b:s15+s14], $0xC8, $0x38;
	[tilespmem:$0x19640] =	vst v63  }
0xc9: {  	s15 =	sadd.s32 @!p0 s13, s20;
	s13 =	sadd.s32 @!p0 $0xC8, s13  }
0xca: {  	s4 =	simm.s32 $0x10;
	s7 =	smov.u32 s9;
	p1 =	sne.s32 @!p0 s13, $0x3200  }
0xcb: {  	s9 =	simm.s32 $0x258;
	_ =	swait.ge [sflag:s4], $0x3200;
	p1 =	por p0, !p1  }
.Ltmp0:
0xcc: {  	s24 =	sadd.s32 s12, s22;
	[sflag:s4] =	ssyncset.done $0x0;
	(pc) =	sbr.rel @!p1 .LBB2_2-.Ltmp0, $4  }
0xcd: {  	s12 =	sadd.s32 @!p0 $0x6400, s12;
	s8 =	simm.s32 $0x16440;
	[sflag:s4] =	ssyncadd.s32 $0xFFFFCE00  }
0xce: {  	[hbm4b:s24+s2] =	stream.strided.scatter [tilespmem:s8], [sflag:$0x18], $0x3200, s0, s2, $0x38;
	[tilespmem:$0x19640] =	vst v63  }
0xcf: {  	s25 =	smov.u32 s30;
	s30 =	simm.s32 $0x3E8;
	s16 =	simm.s32 @!p0 $0x578  }
0xd0: {  	[tilespmem:s16], [sflag:$0x8] =	stream.linear.gather @!p0 [hbm4b:s15+s14], $0xC8, $0x38;
	[tilespmem:$0x19640] =	vst v63  }
0xd1: {  	s1 =	simm.s32 $0x11  }
0xd2: {  	_ =	swait.ge [sflag:s1], $0x3200  }
0xd3: {  	[sflag:s1] =	ssyncset.done $0x0  }
0xd4: {  	s13 =	simm.s32 $0x12;
	[sflag:s1] =	ssyncadd.s32 $0xFFFFCE00  }
0xd5: {  	_ =	swait.ge [sflag:s13], $0x3200  }
0xd6: {  	[sflag:s13] =	ssyncset.done $0x0  }
0xd7: {  	s14 =	simm.s32 $0x13;
	[sflag:s13] =	ssyncadd.s32 $0xFFFFCE00  }
0xd8: {  	_ =	swait.ge [sflag:s14], $0x3200  }
0xd9: {  	[sflag:s14] =	ssyncset.done $0x0  }
0xda: {  	s15 =	simm.s32 $0x14;
	[sflag:s14] =	ssyncadd.s32 $0xFFFFCE00  }
0xdb: {  	_ =	swait.ge [sflag:s15], $0x3200  }
0xdc: {  	[sflag:s15] =	ssyncset.done $0x0  }
0xdd: {  	s16 =	simm.s32 $0x15;
	[sflag:s15] =	ssyncadd.s32 $0xFFFFCE00  }
0xde: {  	_ =	swait.ge [sflag:s16], $0x3200  }
0xdf: {  	[sflag:s16] =	ssyncset.done $0x0  }
0xe0: {  	s19 =	simm.s32 $0x16;
	[sflag:s16] =	ssyncadd.s32 $0xFFFFCE00  }
0xe1: {  	_ =	swait.ge [sflag:s19], $0x3200  }
0xe2: {  	[sflag:s19] =	ssyncset.done $0x0  }
0xe3: {  	s24 =	simm.s32 $0x17;
	[sflag:s19] =	ssyncadd.s32 $0xFFFFCE00  }
0xe4: {  	_ =	swait.ge [sflag:s24], $0x3200  }
0xe5: {  	[sflag:s24] =	ssyncset.done $0x0  }
0xe6: {  	s26 =	simm.s32 $0x18;
	[sflag:s24] =	ssyncadd.s32 $0xFFFFCE00  }
0xe7: {  	_ =	swait.ge [sflag:s26], $0x3200  }
0xe8: {  	s4 =	rddreg [dreg:$0x13]  }
0xe9: {  	s12 =	rddreg [dreg:$0x7];
	s4 =	sadd.s32 $0x1, s4  }
0xea: {  	p0 =	sne.s32 s4, s12  }
.Ltmp1:
0xeb: {  	_ = 	snop;
	(pc) =	sbr.rel @p0 .LBB2_1-.Ltmp1, $3  }
0xec: {  	_ =	sdelay $0x1  }
0xed: {  	[sflag:s26] =	ssyncset.done $0x0  }
0xee: {  	s14 =	simm.s32 $0x578;
	[sflag:s26] =	ssyncadd.s32 $0xFFFFCE00  }
0xef: {  	_ =	sfence.sel $0x180000  }
0xf0: {  	[bflag:$0x0] =	sbarrier.arrive $0xFFFF  }
0xf1: {  	_ =	strace $0x90000047  }
0xf2: {  	s0 =	stileid.u32;
	[bflag:$0x2] =	sbarrier.arrive $0xFFFF  }
0xf3: {  	p0 =	sne.s32 s0, $0x0;
	s0 =	rddreg [dreg:$0x1]  }
0xf4: {  	s0 =	sadd.s32 @!p0 $0x100000, s0  }
0xf5: {  	[sflag:s0] =	ssyncadd.tile.s32 @!p0 $0x1;
	_ =	shalt  }
.Lfunc_end2:
_tile_overlayer_lowered:
.L_overlay_start_2:
0xf6: {  	(tag) =	ssettag $0x2  }
0xf7: {  	s0 =	rddreg [dreg:$0x0];
	s2 =	stileid.u32  }
0xf8: {  	s1 =	rddreg [dreg:$0x1];
	p0 =	sne.s32 s2, $0x0  }
0xf9: {  	s3 =	rddreg [dreg:$0x2];
	[bflag:$0x3] =	sbarrier.arrive $0xFFFF;
	s2 =	simm.s32 @!p0 $0x1C19  }
0xfa: {  	[timem:s3], [sflag:s2] =	dma.local @!p0 [hbm:s0], s1  }
0xfb: {  	s0 =	simm.s32 @!p0 $0x19  }
0xfc: {  	_ =	swait.ge @!p0 [sflag:s0], s1  }
0xfd: {  	s1 =	ssub.s32 @!p0 $0x0, s1;
	[sflag:s0] =	ssyncset.done @!p0 $0x0  }
0xfe: {  	[sflag:s0] =	ssyncadd.s32 @!p0 s1  }
0xff: {  	[bflag:$0x3] =	sbarrier.arrive $0xFFFF  }
0x100: {  	_ =	shalt  }

// kernel: sparse-core-data-format-call.cloned.1.call-start
scs
called_computation_lowered:
.L_overlay_start_0:
0x0: {  	s2 =	sld [smem:$0x3FD9]  }
0x1: {  	s3 =	sld [smem:$0x3FFE];
	_ =	sdelay $0x1  }
0x2: {  	s1 =	srdreg.scid  }
0x3: {  	s0 =	sand.u32 $0x1, s1  }
0x4: {  	s18 =	sshll.u32 s0, $0xA;
	s2 =	sadd.s32 s3, s2  }
0x5: {  	s2 =	sadd.s32 s2, s18  }
0x6: {  	[smem:$0x3FC6] =	sst s2  }
0x7: {  	_ = 	snop  }
0x8: {  	s2 =	sld [smem:$0x3FD0];
	(tm) =	ssettm $0x1  }
0x9: {  	s19 =	sld [smem:$0x3FFB];
	_ =	sdelay $0x3  }
0xa: {  	_ =	strace s19  }
0xb: {  	s3 =	sld [smem:$0x3FFC];
	_ =	sdelay $0x3  }
0xc: {  	_ =	strace s3  }
0xd: {  	s3 =	sld [smem:$0x3FFD];
	_ =	sdelay $0x3  }
0xe: {  	_ =	strace s3  }
0xf: {  	_ =	strace $0x8FFFFFFF  }
0x10: {  	s20 =	sld [smem:$0x3FDB];
	_ =	sdelay $0x1  }
0x11: {  	s4 =	simm.s32 $_scs_section_size  }
0x12: {  	s5 =	simm.s32 $_size__tile_overlayer_lowered;
	s6 =	simm.s32 $_tile_overlayer_lowered  }
0x13: {  	s23 =	simm.s32 $0x1BFF;
	s22 =	sshll.u32 s6, $0x1;
	s3 =	sadd.s32 s4, s20  }
0x14: {  	s7 =	simm.s32 $0x0;
	s21 =	sshll.u32 s5, $0x1;
	s5 =	sadd.s32 s22, s3  }
0x15: {  	[timem:s7], [sflag:s23] =	dma.local [hbm:s5], s21  }
0x16: {  	_ =	swait.ge [sflag:s23], s21  }
0x17: {  	s4 =	ssub.s32 $0x0, s21;
	[sflag:s23] =	ssyncset.done $0x0  }
0x18: {  	[sflag:s23] =	ssyncadd.s32 s4;
	_ =	sdelay $0x1  }
0x19: {  	s24 =	simm.s32 $0x1B8B  }
0x1a: {  	_ =	swait.ge [sflag:s24], $0x1  }
0x1b: {  	[sflag:s24] =	ssyncset.done $0x0  }
0x1c: {  	s26 =	simm.s32 $0x1B8E;
	s25 =	sld [smem:$0x3FFE];
	[sflag:s24] =	ssyncadd.s32 $0xFFFFFFFF  }
0x1d: {  	s27 =	simm.s32 $execute0_lowered;
	[smem:$0x3FD2] =	sst s26  }
0x1e: {  	s5 =	sshll.u32 s27, $0x1;
	_ =	strace $0x80000049;
	[dreg:$0x1] =	wrdreg $0xFFFFFFFF  }
0x1f: {  	s28 =	simm.s32 $_size_execute0_lowered;
	s3 =	sadd.s32 s3, s5;
	[dreg:$0x0] =	wrdreg $0x0  }
0x20: {  	s5 =	sshll.u32 s28, $0x1;
	[dreg:$0x2] =	wrdreg s3  }
0x21: {  	[dreg:$0x3] =	wrdreg s5  }
0x22: {  	[dreg:$0x4] =	wrdreg $0xC0  }
0x23: {  	_ =	task [dreg:s7], $0x5FFFF  }
0x24: {  	[dreg:$0x1] =	wrdreg $0xFFFFFFFF  }
0x25: {  	[dreg:$0x0] =	wrdreg $0x60  }
0x26: {  	[dreg:$0x2] =	wrdreg s25  }
0x27: {  	[dreg:$0x3] =	wrdreg s2  }
0x28: {  	[dreg:$0x4] =	wrdreg $0x9  }
0x29: {  	_ =	task.clear_ibuf [dreg:s7], $0x5FFFF;
	_ =	strace $0x90000049  }
0x2a: {  	s29 =	simm.s32 $0x9;
	_ =	strace $0x8000004B  }
0x2b: {  	_ =	swait.ge [sflag:s29], $0x1  }
0x2c: {  	[sflag:s29] =	ssyncadd.s32 $0xFFFFFFFF  }
0x2d: {  	_ =	strace $0x9000004B  }
0x2e: {  	_ =	sfence  }
0x2f: {  	s30 =	sld [smem:$0x0];
	_ =	sdelay $0x2  }
0x30: {  	s31 =	sshll.u32 s1, $0xD;
	s1 =	sshrl.u32 s1, $0x2  }
0x31: {  	s3 =	sand.u32 $0x4000, s31;
	s1 =	sadd.s32 s1, s30  }
0x32: {  	s0 =	sor.u32 s3, s0;
	s1 =	sshll.u32 s1, $0x11  }
0x33: {  	s0 =	sor.u32 s1, s0  }
0x34: {  	s0 =	sadd.s32 $0x8F2B, s0  }
0x35: {  	[sflag:s0] =	ssyncadd.remote.s32 $0x1  }
0x36: {  	_ =	sfence.sel $0xFFFF  }
0x37: {  	[dreg:$0x0] =	wrdreg $0xFFFFFFFF;
	(pc) =	sbr.abs _section_cstart, $3  }
0x38: {  	[dreg:$0x1] =	wrdreg $0xFFFFFFFF  }
0x39: {  	_ =	task.clear_ibuf [dreg:s7], $0x2FFFF;
	_ =	strace $0x9FFFFFFF  }
0x3a: {  	(tm) =	ssettm $0x7FFFFFFF  }
0x3b: {  	_ =	shalt  }
tec
execute0_lowered:
.L_overlay_start_1:
0x0: {  	(tag) =	ssettag $0x1  }
0x1: {  	s0 =	srdreg.scid  }
0x2: {  	s1 =	sshll.u32 s0, $0x4  }
0x3: {  	s0 =	stileid.u32;
	s1 =	sand.u32 $0x10, s1  }
0x4: {  	s1 =	sor.u32 s0, s1  }
0x5: {  	s6 =	rddreg [dreg:$0x0];
	s4 =	simm.s32 $0x1;
	s2 =	sshll.u32 s1, $0x7  }
0x6: {  	s7 =	simm.s32 $0x2;
	s12 =	simm.s32 $0x0;
	s1 =	ssub.s32 $0x4000, s2  }
0x7: {  	s8 =	simm.s32 $0x20000;
	s13 =	simm.s32 $0x0;
	s3 =	sand.u32 $0xF80, s1  }
0x8: {  	s9 =	simm.s32 $0x0;
	s5 =	sshrl.u32 s1, $0xC;
	p0 =	sne.s32 s3, $0x0  }
.Ltmp0:
0x9: {  	s1 =	rddreg [dreg:$0x2];
	s4 =	simm.s32 @!p0 $0x0;
	(pc) =	sbr.rel .LBB1_1-.Ltmp0, $4  }
0xa: {  	s11 =	simm.s32 $0x0;
	s3 =	rddreg [dreg:$0x1];
	s5 =	sadd.s32 s4, s5  }
0xb: {  	_ =	strace $0x8000004A;
	s4 =	simm.s32 $0x1;
	s5 =	smul.u32 $0xC8, s5  }
0xc: {  	s6 =	sadd.s32 $0x805A00, s6;
	s10 =	smov.u32 s2;
	[sflag:s4] =	ssyncpa.u1 $0x0  }
0xd: {  	p0 =	por $0x0, $0x0;
	[sflag:s7] =	ssyncpa.u1 $0x0;
	s7 =	sor.u32 $0x1, s5  }
.LBB1_4:
0xe: {  	s16 =	sshll.u32 s13, $0x3;
	s17 =	sand.u32 $0x78, s13  }
0xf: {  	s30 =	sand.u32 $0x1F800, s13;
	s12 =	sshll.u32 s12, $0x11;
	s16 =	sand.u32 $0x3C00, s16  }
0x10: {  	[tilespmem:s15+$0x810 ss:$0x81] =	vst.msk $0xffff, v2;
	s31 =	sand.u32 $0x7, s13;
	s16 =	sor.u32 s17, s16;
	s17 =	sadd.s32 s3, s30  }
0x11: {  	[tilespmem:s15+$0x1020 ss:$0x81] =	vst.msk $0xffff, v0;
	s13 =	sshll.u32 s31, $0x12;
	s12 =	sadd.s32 s12, s17;
	s16 =	sshrl.u32 s16, $0x3  }
0x12: {  	[tilespmem:s15+$0x0 ss:$0x81] =	vst.msk $0xffff, v1;
	s13 =	sor.u32 $0x400, s13;
	s12 =	sadd.s32 s16, s12  }
0x13: {  	[hbm4b:s12+s13] =	stream.strided.scatter [tilespmem:s14], [sflag:$0x2], $0x2000, s8, s13, $0x20;
	[tilespmem:$0x8080] =	vst v63  }
.LBB1_5:
0x14: {  	s14 =	sadd.s32 $0x1, s9  }
0x15: {  	s12 =	sadd.s32 $0x1000, s10;
	s16 =	smov.u32 s10;
	p2 =	sgt.s32 s14, $0xC7  }
0x16: {  	s16 =	smov.u32 @p2 s12  }
0x17: {  	s14 =	simm.s32 @p2 $0x0;
	p2 =	sgt.s32 s16, $0x3FFF  }
0x18: {  	s16 =	smov.u32 @p2 s2;
	p2 =	sne.s32 s11, s7  }
.Ltmp1:
0x19: {  	p1 =	slt.u32 s11, $0x2;
	(pc) =	sbr.rel @!p2 .LBB1_6-.Ltmp1, $4  }
0x1a: {  	s15 =	simm.s32 @!p1 $0x2  }
0x1b: {  	s13 =	smov.u32 s10;
	p0 =	por !p0, !p0;
	_ =	swait.ge @!p1 [sflag:s15], $0x2000  }
0x1c: {  	s12 =	smov.u32 s9;
	[sflag:s15] =	ssyncset.done @!p1 $0x0;
	s9 =	smov.u32 s14  }
0x1d: {  	s11 =	sadd.s32 $0x1, s11;
	[sflag:s15] =	ssyncadd.s32 @!p1 $0xFFFFE000;
	s10 =	smov.u32 s16  }
.LBB1_1:
0x1e: {  	p1 =	sge.u32 s11, s5  }
0x1f: {  	s14 =	sand.u32 @!p1 $0x1FFFFFF, s9  }
0x20: {  	s15 =	smulhi.u32 @!p1 $0x147AE15, s14;
	_ =	sdelay $0x1  }
0x21: {  	s15 =	smul.u32 @!p1 $0xC8, s15  }
0x22: {  	s16 =	sxor.u32 @!p1 $0xFFFFFFFF, s11;
	s17 =	smul.u32 @!p1 $0xC80, s10  }
0x23: {  	s31 =	sadd.s32 $0xFFFFFFFF, s11;
	s16 =	sshll.u32 @!p1 s16, $0xD;
	s14 =	ssub.s32 @!p1 s14, s15  }
0x24: {  	s15 =	sand.u32 @!p1 $0x2000, s16;
	s16 =	sadd.s32 @!p1 s6, s17;
	s14 =	sshll.u32 @!p1 s14, $0x4  }
0x25: {  	s17 =	simm.s32 @!p1 $0x6400;
	s14 =	sadd.s32 @!p1 s14, s16;
	s16 =	simm.s32 @!p1 $0x40  }
0x26: {  	[tilespmem:s15], [sflag:$0x1] =	stream.strided.gather @!p1 [hbm4b:s14+s16], $0x2000, s17, s16, $0x38;
	[tilespmem:$0x8080] =	vst v63  }
0x27: {  	p1 =	sge.u32 s31, s5  }
.Ltmp2:
0x28: {  	_ = 	snop;
	(pc) =	sbr.rel @p1 .LBB1_5-.Ltmp2, $1  }
0x29: {  	_ =	sdelay $0x3  }
0x2a: {  	s14 =	simm.s32 $0x1  }
0x2b: {  	_ =	swait.ge [sflag:s4], $0x2000;
	s14 =	simm.s32 @!p0 $0x0  }
0x2c: {  	[sflag:s4] =	ssyncset.done $0x0;
	s15 =	sshll.u32 s14, $0xD  }
0x2d: {  	[sflag:s4] =	ssyncadd.s32 $0xFFFFE000;
	s18 =	sor.u32 $0x20, s15  }
0x2e: {  	s14 =	smul.u32 $0x8100, s14;
	v3 =	vld [tilespmem:s18+$0x10]  }
0x2f: {  	s30 =	sand.u32 $0x1, s11;
	v2 =	vld [tilespmem:s18+$0xFFFFFFF0]  }
0x30: {  	s15 =	smul.u32 $0x8100, s30;
	s14 =	sshrl.u32 s14, $0x2;
	v0 =	vld [tilespmem:s18+$0x0]  }
0x31: {  	v1 =	vld [tilespmem:s18+$0xFFFFFFE0];
	s16 =	sor.u32 $0x4000, s14  }
0x32: {  	s31 =	sshrl.u32 s15, $0x2;
	s15 =	sadd.s32 $0x0, s16  }
0x33: {  	s17 =	simm.s32 $0x4;
	s18 =	sadd.s32 $0x40, s18;
	s14 =	sor.u32 $0x4000, s31;
	[tilespmem:s15+$0x1830 ss:$0x81] =	vst.msk $0xffff, v3  }
.LBB1_3:
0x34: {  	v3 =	vld [tilespmem:s18+$0x10];
	p1 =	sne.s32 s17, $0x1FC;
	[tilespmem:s15+$0x810 ss:$0x81] =	vst.msk $0xffff, v2;
	s19 =	smov.u32 s17;
	s17 =	sadd.s32 $0x4, s17  }
.Ltmp3:
0x35: {  	v2 =	vld [tilespmem:s18+$0xFFFFFFF0];
	[tilespmem:s15+$0x1020 ss:$0x81] =	vst.msk $0xffff, v0;
	(pc) =	sbr.rel @p1 .LBB1_3-.Ltmp3, $4  }
0x36: {  	v0 =	vld [tilespmem:s18+$0x0];
	[tilespmem:s15+$0x0 ss:$0x81] =	vst.msk $0xffff, v1  }
0x37: {  	s15 =	sshra.s32 s19, $0x2;
	v1 =	vld [tilespmem:s18+$0xFFFFFFE0]  }
0x38: {  	s15 =	sadd.s32 s15, s16  }
0x39: {  	s18 =	sadd.s32 $0x40, s18;
	[tilespmem:s15+$0x1830 ss:$0x81] =	vst.msk $0xffff, v3  }
.Ltmp4:
0x3a: {  	_ = 	snop;
	(pc) =	sbr.rel .LBB1_4-.Ltmp4, $1  }
0x3b: {  	_ =	sdelay $0x3  }
.LBB1_6:
0x3c: {  	_ =	sfence.sel $0x180000  }
0x3d: {  	s2 =	simm.s32 $0x1;
	[bflag:$0x0] =	sbarrier.arrive $0xFFFF  }
0x3e: {  	s31 =	simm.s32 $0x2;
	[sflag:s2] =	ssyncpa.u1 $0x1  }
0x3f: {  	[sflag:s31] =	ssyncpa.u1 $0x1  }
0x40: {  	p0 =	sne.s32 s0, $0x0;
	_ =	strace $0x9000004A  }
0x41: {  	s0 =	sadd.s32 @!p0 $0x100000, s1;
	[bflag:$0x2] =	sbarrier.arrive $0xFFFF  }
0x42: {  	[sflag:s0] =	ssyncadd.tile.s32 @!p0 $0x1;
	_ =	shalt  }
.Lfunc_end1:
_tile_overlayer_lowered:
.L_overlay_start_2:
0x43: {  	(tag) =	ssettag $0x2  }
0x44: {  	s0 =	rddreg [dreg:$0x0];
	s2 =	stileid.u32  }
0x45: {  	s1 =	rddreg [dreg:$0x1];
	p0 =	sne.s32 s2, $0x0  }
0x46: {  	s3 =	rddreg [dreg:$0x2];
	[bflag:$0x3] =	sbarrier.arrive $0xFFFF;
	s2 =	simm.s32 @!p0 $0x1C01  }
0x47: {  	[timem:s3], [sflag:s2] =	dma.local @!p0 [hbm:s0], s1  }
0x48: {  	s0 =	simm.s32 @!p0 $0x1  }
0x49: {  	_ =	swait.ge @!p0 [sflag:s0], s1  }
0x4a: {  	s1 =	ssub.s32 @!p0 $0x0, s1;
	[sflag:s0] =	ssyncset.done @!p0 $0x0  }
0x4b: {  	[sflag:s0] =	ssyncadd.s32 @!p0 s1  }
0x4c: {  	[bflag:$0x3] =	sbarrier.arrive $0xFFFF  }
0x4d: {  	_ =	shalt  }

</sc_bundles>
